<compile_context>
chip_gen: v7x
topology: tpu7x:2x2x1
jax: 0.10.2.dev20260603
libtpu: 0.0.44.dev20260713+nightly
codegen_flags: <defaults>
</compile_context>

<pallas_src>
import functools

import jax
import jax.numpy as jnp
from jax import lax
from jax.experimental import pallas as pl
from jax.experimental.pallas import tpu as pltpu
from jax.experimental.pallas import tpu_sc as plsc

D = 64
SCALE = 8.0
L = 16

NC, NS = 2, 16
NW = NC * NS

B = 4096 * 200
BPW = B // NW
CH = 512
SUB = 128
NSUB = CH // SUB
NCHUNK = BPW // CH
NPAIR = NCHUNK // 2

_mesh = plsc.VectorSubcoreMesh(core_axis_name="c", subcore_axis_name="s")


@functools.partial(
    pl.kernel,
    out_type=jax.ShapeDtypeStruct((B, D), jnp.float32),
    mesh=_mesh,
    scratch_types=[
        pltpu.VMEM((CH,), jnp.int32),
        pltpu.VMEM((CH,), jnp.int32),
        pltpu.VMEM((CH, D), jnp.float32),
        pltpu.VMEM((CH, D), jnp.float32),
        pltpu.SemaphoreType.DMA,
        pltpu.SemaphoreType.DMA,
        pltpu.SemaphoreType.DMA,
        pltpu.SemaphoreType.DMA,
        pltpu.SemaphoreType.DMA,
        pltpu.SemaphoreType.DMA,
    ],
    compiler_params=pltpu.CompilerParams(use_tc_tiling_on_sc=False),
)
def _embed_sc(x_hbm, tab_hbm, out_hbm, idx0, idx1, rows0, rows1,
              isem0, isem1, gsem0, gsem1, ssem0, ssem1):
    wid = lax.axis_index("s") * NC + lax.axis_index("c")
    base = wid * BPW
    bias = jnp.full((L,), SCALE, jnp.float32)

    idx_v = (idx0, idx1)
    rows_v = (rows0, rows1)
    isem = (isem0, isem1)
    gsem = (gsem0, gsem1)
    ssem = (ssem0, ssem1)

    def fire_idx(g, b):
        pltpu.async_copy(x_hbm.at[pl.ds(base + g * CH, CH)], idx_v[b], isem[b])

    def wait_idx(g, b):
        pltpu.make_async_copy(
            x_hbm.at[pl.ds(base + g * CH, CH)], idx_v[b], isem[b]).wait()

    def fire_gathers(b):
        for j in range(NSUB):
            pltpu.async_copy(
                tab_hbm.at[idx_v[b].at[pl.ds(j * SUB, SUB)]],
                rows_v[b].at[pl.ds(j * SUB, SUB)],
                gsem[b],
            )

    def wait_gathers(b):
        for j in range(NSUB):
            pltpu.make_async_copy(
                tab_hbm.at[idx_v[b].at[pl.ds(j * SUB, SUB)]],
                rows_v[b].at[pl.ds(j * SUB, SUB)],
                gsem[b],
            ).wait()

    def fire_store(g, b):
        pltpu.async_copy(rows_v[b], out_hbm.at[pl.ds(base + g * CH, CH)], ssem[b])

    def wait_store(g, b):
        pltpu.make_async_copy(
            rows_v[b], out_hbm.at[pl.ds(base + g * CH, CH)], ssem[b]).wait()

    def add_bias(b):
        @plsc.parallel_loop(0, CH, unroll=4)
        def _(i):
            for k in range(D // L):
                sl = pl.ds(k * L, L)
                rows_v[b][i, sl] = rows_v[b][i, sl] + bias

    fire_idx(0, 0)
    fire_idx(1, 1)
    wait_idx(0, 0)
    fire_gathers(0)

    def pair_body(p, carry):
        ga = 2 * p
        gb = ga + 1

        wait_idx(gb, 1)

        @pl.when(p > 0)
        def _():
            wait_store(ga - 1, 1)
        fire_gathers(1)

        wait_gathers(0)

        @pl.when(p < NPAIR - 1)
        def _():
            fire_idx(ga + 2, 0)
        add_bias(0)
        fire_store(ga, 0)

        @pl.when(p < NPAIR - 1)
        def _():
            wait_idx(gb + 1, 0)
            wait_store(ga, 0)
            fire_gathers(0)

        wait_gathers(1)

        @pl.when(p < NPAIR - 1)
        def _():
            fire_idx(gb + 2, 1)
        add_bias(1)
        fire_store(gb, 1)
        return carry

    lax.fori_loop(0, NPAIR, pair_body, 0)

    wait_store(NCHUNK - 2, 0)
    wait_store(NCHUNK - 1, 1)


def kernel(x, embedding_table):
    out = _embed_sc(x.reshape(B), embedding_table)
    return out.reshape(x.shape + (D,))

# --- scband reference (transcript-rebuilt; emitter-appended) ---
"""Pipeline reference for scband-input-embeddings-12249246728327 (READ-ONLY COPY).

The authoritative reference and input builder live on the scoring server;
editing this copy changes nothing except your own understanding.
"""

import jax, jax.numpy as jnp
import numpy as np

VOCAB_SIZE = 1000000
OUTPUT_DIMENSION = 64

def setup_inputs(seed: int = 0) -> dict:
    key = jax.random.key(seed)
    k1, k2 = jax.random.split(key)
    x = jax.random.randint(k1, (4096, 200), 0, VOCAB_SIZE, dtype=jnp.int64 if jax.config.jax_enable_x64 else jnp.int32)
    # nn.Embedding default init: N(0, 1)
    embedding_table = jax.random.normal(k2, (VOCAB_SIZE, OUTPUT_DIMENSION), dtype=jnp.float32)
    return {"x": x, "embedding_table": embedding_table}

def reference(x, embedding_table):
    # Faithful translation: embedding lookup, then ADD sqrt(output_dimension)
    # (the original module adds the normalization factor, it does not multiply).
    embedding_calculation = jnp.take(embedding_table, x, axis=0)
    normalization_factor = np.sqrt(OUTPUT_DIMENSION).astype(np.float32)
    return embedding_calculation + normalization_factor

if __name__ == "__main__":
    import jax
    _d = setup_inputs()
    print(jax.jit(kernel)(*tuple(_d.values())))

</pallas_src>

<mosaic_0001>
#map = affine_map<(d0, d1) -> (0)>
#map1 = affine_map<(d0, d1) -> (0, 0)>
module attributes {stable_mosaic.version = 14 : i64} {
  func.func @_embed_sc(%arg0: i32, %arg1: i32, %arg2: memref<819200xi32, #tpu.memory_space<hbm>>, %arg3: memref<1000000x64xf32, #tpu.memory_space<hbm>>, %arg4: memref<819200x64xf32, #tpu.memory_space<hbm>>, %arg5: memref<512xi32, #tpu.memory_space<vmem>>, %arg6: memref<512xi32, #tpu.memory_space<vmem>>, %arg7: memref<512x64xf32, #tpu.memory_space<vmem>>, %arg8: memref<512x64xf32, #tpu.memory_space<vmem>>, %arg9: memref<!tpu.dma_semaphore, #tpu.memory_space<semaphore_mem>>, %arg10: memref<!tpu.dma_semaphore, #tpu.memory_space<semaphore_mem>>, %arg11: memref<!tpu.dma_semaphore, #tpu.memory_space<semaphore_mem>>, %arg12: memref<!tpu.dma_semaphore, #tpu.memory_space<semaphore_mem>>, %arg13: memref<!tpu.dma_semaphore, #tpu.memory_space<semaphore_mem>>, %arg14: memref<!tpu.dma_semaphore, #tpu.memory_space<semaphore_mem>>) attributes {dimension_semantics = [#tpu.dimension_semantics<core_parallel>, #tpu.dimension_semantics<subcore_parallel>], iteration_bounds = array<i64: 2, 16>, scalar_prefetch = 0 : i64, scratch_operands = 10 : i64, tpu.core_type = #tpu.core_type<sc_vector_subcore>, window_params = [{transform_indices = #map}, {transform_indices = #map1}, {transform_indices = #map1}]} {
    %mul3A = arith.constant 2 : i32
    %mul3A_0 = arith.muli %arg1, %mul3A : i32
    %add3A = arith.addi %mul3A_0, %arg0 : i32
    %mul3A_1 = arith.constant 25600 : i32
    %mul3A_2 = arith.muli %add3A, %mul3A_1 : i32
    %broadcast_in_dim3A = arith.constant 8.000000e+00 : f32
    %broadcast_in_dim3A_3 = vector.broadcast %broadcast_in_dim3A : f32 to vector<16xf32>
    %add3A_4 = arith.constant 0 : i32
    %add3A_5 = arith.addi %mul3A_2, %add3A_4 : i32
    %dma_start3A = tpu.memref_slice %arg2[%add3A_5] : memref<819200xi32, #tpu.memory_space<hbm>> -> memref<512xi32, #tpu.memory_space<hbm>>
    %dma_start3A_6 = tpu.memref_slice %arg2[%add3A_5] : memref<819200xi32, #tpu.memory_space<hbm>> -> memref<512xi32, #tpu.memory_space<hbm>>
    tpu.enqueue_dma source(%dma_start3A_6 : memref<512xi32, #tpu.memory_space<hbm>>) target(%arg5 : memref<512xi32, #tpu.memory_space<vmem>>) target_semaphore(%arg9 : memref<!tpu.dma_semaphore, #tpu.memory_space<semaphore_mem>>)
    %add3A_7 = arith.constant 512 : i32
    %add3A_8 = arith.addi %mul3A_2, %add3A_7 : i32
    %dma_start3A_9 = tpu.memref_slice %arg2[%add3A_8] : memref<819200xi32, #tpu.memory_space<hbm>> -> memref<512xi32, #tpu.memory_space<hbm>>
    %dma_start3A_10 = tpu.memref_slice %arg2[%add3A_8] : memref<819200xi32, #tpu.memory_space<hbm>> -> memref<512xi32, #tpu.memory_space<hbm>>
    tpu.enqueue_dma source(%dma_start3A_10 : memref<512xi32, #tpu.memory_space<hbm>>) target(%arg6 : memref<512xi32, #tpu.memory_space<vmem>>) target_semaphore(%arg10 : memref<!tpu.dma_semaphore, #tpu.memory_space<semaphore_mem>>)
    %add3A_11 = arith.constant 0 : i32
    %add3A_12 = arith.addi %mul3A_2, %add3A_11 : i32
    %dma_wait3A = tpu.memref_slice %arg2[%add3A_12] : memref<819200xi32, #tpu.memory_space<hbm>> -> memref<512xi32, #tpu.memory_space<hbm>>
    %dma_wait3A_13 = tpu.memref_slice %arg2[%add3A_12] : memref<819200xi32, #tpu.memory_space<hbm>> -> memref<512xi32, #tpu.memory_space<hbm>>
    tpu.wait_dma2 semaphore(%arg9 : memref<!tpu.dma_semaphore, #tpu.memory_space<semaphore_mem>>) src(%dma_wait3A_13 : memref<512xi32, #tpu.memory_space<hbm>>) dst(%arg5 : memref<512xi32, #tpu.memory_space<vmem>>)
    %dma_start3A_14 = arith.constant 0 : i32
    %dma_start3A_15 = arith.constant 0 : i32
    %dma_start3A_16 = tpu.memref_slice %arg7[%dma_start3A_14, %dma_start3A_15] : memref<512x64xf32, #tpu.memory_space<vmem>> -> memref<128x64xf32, #tpu.memory_space<vmem>>
    %dma_start3A_17 = arith.constant 0 : i32
    %dma_start3A_18 = tpu.memref_slice %arg5[%dma_start3A_17] : memref<512xi32, #tpu.memory_space<vmem>> -> memref<128xi32, #tpu.memory_space<vmem>>
    %dma_start3A_19 = arith.constant 0 : i32
    %dma_start3A_20 = arith.constant 0 : i32
    %dma_start3A_21 = tpu.memref_slice %arg3[%dma_start3A_19, %dma_start3A_20] : memref<1000000x64xf32, #tpu.memory_space<hbm>> -> memref<1000000x64xf32, #tpu.memory_space<hbm>>
    tpu.enqueue_indirect_dma source(%dma_start3A_21 : memref<1000000x64xf32, #tpu.memory_space<hbm>>) target(%dma_start3A_16 : memref<128x64xf32, #tpu.memory_space<vmem>>) offsets(%dma_start3A_18 : memref<128xi32, #tpu.memory_space<vmem>>) semaphore(%arg11 : memref<!tpu.dma_semaphore, #tpu.memory_space<semaphore_mem>>)
    %dma_start3A_22 = arith.constant 128 : i32
    %dma_start3A_23 = arith.constant 0 : i32
    %dma_start3A_24 = tpu.memref_slice %arg7[%dma_start3A_22, %dma_start3A_23] : memref<512x64xf32, #tpu.memory_space<vmem>> -> memref<128x64xf32, #tpu.memory_space<vmem>>
    %dma_start3A_25 = arith.constant 128 : i32
    %dma_start3A_26 = tpu.memref_slice %arg5[%dma_start3A_25] : memref<512xi32, #tpu.memory_space<vmem>> -> memref<128xi32, #tpu.memory_space<vmem>>
    %dma_start3A_27 = arith.constant 0 : i32
    %dma_start3A_28 = arith.constant 0 : i32
    %dma_start3A_29 = tpu.memref_slice %arg3[%dma_start3A_27, %dma_start3A_28] : memref<1000000x64xf32, #tpu.memory_space<hbm>> -> memref<1000000x64xf32, #tpu.memory_space<hbm>>
    tpu.enqueue_indirect_dma source(%dma_start3A_29 : memref<1000000x64xf32, #tpu.memory_space<hbm>>) target(%dma_start3A_24 : memref<128x64xf32, #tpu.memory_space<vmem>>) offsets(%dma_start3A_26 : memref<128xi32, #tpu.memory_space<vmem>>) semaphore(%arg11 : memref<!tpu.dma_semaphore, #tpu.memory_space<semaphore_mem>>)
    %dma_start3A_30 = arith.constant 256 : i32
    %dma_start3A_31 = arith.constant 0 : i32
    %dma_start3A_32 = tpu.memref_slice %arg7[%dma_start3A_30, %dma_start3A_31] : memref<512x64xf32, #tpu.memory_space<vmem>> -> memref<128x64xf32, #tpu.memory_space<vmem>>
    %dma_start3A_33 = arith.constant 256 : i32
    %dma_start3A_34 = tpu.memref_slice %arg5[%dma_start3A_33] : memref<512xi32, #tpu.memory_space<vmem>> -> memref<128xi32, #tpu.memory_space<vmem>>
    %dma_start3A_35 = arith.constant 0 : i32
    %dma_start3A_36 = arith.constant 0 : i32
    %dma_start3A_37 = tpu.memref_slice %arg3[%dma_start3A_35, %dma_start3A_36] : memref<1000000x64xf32, #tpu.memory_space<hbm>> -> memref<1000000x64xf32, #tpu.memory_space<hbm>>
    tpu.enqueue_indirect_dma source(%dma_start3A_37 : memref<1000000x64xf32, #tpu.memory_space<hbm>>) target(%dma_start3A_32 : memref<128x64xf32, #tpu.memory_space<vmem>>) offsets(%dma_start3A_34 : memref<128xi32, #tpu.memory_space<vmem>>) semaphore(%arg11 : memref<!tpu.dma_semaphore, #tpu.memory_space<semaphore_mem>>)
    %dma_start3A_38 = arith.constant 384 : i32
    %dma_start3A_39 = arith.constant 0 : i32
    %dma_start3A_40 = tpu.memref_slice %arg7[%dma_start3A_38, %dma_start3A_39] : memref<512x64xf32, #tpu.memory_space<vmem>> -> memref<128x64xf32, #tpu.memory_space<vmem>>
    %dma_start3A_41 = arith.constant 384 : i32
    %dma_start3A_42 = tpu.memref_slice %arg5[%dma_start3A_41] : memref<512xi32, #tpu.memory_space<vmem>> -> memref<128xi32, #tpu.memory_space<vmem>>
    %dma_start3A_43 = arith.constant 0 : i32
    %dma_start3A_44 = arith.constant 0 : i32
    %dma_start3A_45 = tpu.memref_slice %arg3[%dma_start3A_43, %dma_start3A_44] : memref<1000000x64xf32, #tpu.memory_space<hbm>> -> memref<1000000x64xf32, #tpu.memory_space<hbm>>
    tpu.enqueue_indirect_dma source(%dma_start3A_45 : memref<1000000x64xf32, #tpu.memory_space<hbm>>) target(%dma_start3A_40 : memref<128x64xf32, #tpu.memory_space<vmem>>) offsets(%dma_start3A_42 : memref<128xi32, #tpu.memory_space<vmem>>) semaphore(%arg11 : memref<!tpu.dma_semaphore, #tpu.memory_space<semaphore_mem>>)
    %scan3A = arith.constant 0 : i32
    %scan3A_46 = arith.constant 0 : i32
    %scan3A_47 = arith.constant 25 : i32
    %scan3A_48 = arith.addi %scan3A_46, %scan3A_47 : i32
    %scan3A_49 = arith.constant 1 : i32
    scf.for %scan3A_63 = %scan3A_46 to %scan3A_48 step %scan3A_49  : i32 {
      %mul3A_64 = arith.constant 2 : i32
      %mul3A_65 = arith.muli %mul3A_64, %scan3A_63 : i32
      %add3A_66 = arith.constant 1 : i32
      %add3A_67 = arith.addi %mul3A_65, %add3A_66 : i32
      %mul3A_68 = arith.constant 512 : i32
      %mul3A_69 = arith.muli %add3A_67, %mul3A_68 : i32
      %add3A_70 = arith.addi %mul3A_2, %mul3A_69 : i32
      %dma_wait3A_71 = tpu.memref_slice %arg2[%add3A_70] : memref<819200xi32, #tpu.memory_space<hbm>> -> memref<512xi32, #tpu.memory_space<hbm>>
      %dma_wait3A_72 = tpu.memref_slice %arg2[%add3A_70] : memref<819200xi32, #tpu.memory_space<hbm>> -> memref<512xi32, #tpu.memory_space<hbm>>
      tpu.wait_dma2 semaphore(%arg10 : memref<!tpu.dma_semaphore, #tpu.memory_space<semaphore_mem>>) src(%dma_wait3A_72 : memref<512xi32, #tpu.memory_space<hbm>>) dst(%arg6 : memref<512xi32, #tpu.memory_space<vmem>>)
      %gt3A = arith.constant 0 : i32
      %gt3A_73 = arith.cmpi sgt, %scan3A_63, %gt3A : i32
      %convert_element_type3A = arith.extui %gt3A_73 : i1 to i32
      %cond3A = arith.constant 0 : i32
      %cond3A_74 = arith.cmpi ne, %convert_element_type3A, %cond3A : i32
      scf.if %cond3A_74 {
        %sub3A = arith.constant 1 : i32
        %sub3A_204 = arith.subi %mul3A_65, %sub3A : i32
        %mul3A_205 = arith.constant 512 : i32
        %mul3A_206 = arith.muli %sub3A_204, %mul3A_205 : i32
        %add3A_207 = arith.addi %mul3A_2, %mul3A_206 : i32
        %dma_wait3A_208 = arith.constant 0 : i32
        %dma_wait3A_209 = tpu.memref_slice %arg4[%add3A_207, %dma_wait3A_208] : memref<819200x64xf32, #tpu.memory_space<hbm>> -> memref<512x64xf32, #tpu.memory_space<hbm>>
        %dma_wait3A_210 = arith.constant 0 : i32
        %dma_wait3A_211 = tpu.memref_slice %arg4[%add3A_207, %dma_wait3A_210] : memref<819200x64xf32, #tpu.memory_space<hbm>> -> memref<512x64xf32, #tpu.memory_space<hbm>>
        tpu.wait_dma2 semaphore(%arg14 : memref<!tpu.dma_semaphore, #tpu.memory_space<semaphore_mem>>) src(%arg8 : memref<512x64xf32, #tpu.memory_space<vmem>>) dst(%dma_wait3A_211 : memref<512x64xf32, #tpu.memory_space<hbm>>)
      } else {
      }
      %dma_start3A_75 = arith.constant 0 : i32
      %dma_start3A_76 = arith.constant 0 : i32
      %dma_start3A_77 = tpu.memref_slice %arg8[%dma_start3A_75, %dma_start3A_76] : memref<512x64xf32, #tpu.memory_space<vmem>> -> memref<128x64xf32, #tpu.memory_space<vmem>>
      %dma_start3A_78 = arith.constant 0 : i32
      %dma_start3A_79 = tpu.memref_slice %arg6[%dma_start3A_78] : memref<512xi32, #tpu.memory_space<vmem>> -> memref<128xi32, #tpu.memory_space<vmem>>
      %dma_start3A_80 = arith.constant 0 : i32
      %dma_start3A_81 = arith.constant 0 : i32
      %dma_start3A_82 = tpu.memref_slice %arg3[%dma_start3A_80, %dma_start3A_81] : memref<1000000x64xf32, #tpu.memory_space<hbm>> -> memref<1000000x64xf32, #tpu.memory_space<hbm>>
      tpu.enqueue_indirect_dma source(%dma_start3A_82 : memref<1000000x64xf32, #tpu.memory_space<hbm>>) target(%dma_start3A_77 : memref<128x64xf32, #tpu.memory_space<vmem>>) offsets(%dma_start3A_79 : memref<128xi32, #tpu.memory_space<vmem>>) semaphore(%arg12 : memref<!tpu.dma_semaphore, #tpu.memory_space<semaphore_mem>>)
      %dma_start3A_83 = arith.constant 128 : i32
      %dma_start3A_84 = arith.constant 0 : i32
      %dma_start3A_85 = tpu.memref_slice %arg8[%dma_start3A_83, %dma_start3A_84] : memref<512x64xf32, #tpu.memory_space<vmem>> -> memref<128x64xf32, #tpu.memory_space<vmem>>
      %dma_start3A_86 = arith.constant 128 : i32
      %dma_start3A_87 = tpu.memref_slice %arg6[%dma_start3A_86] : memref<512xi32, #tpu.memory_space<vmem>> -> memref<128xi32, #tpu.memory_space<vmem>>
      %dma_start3A_88 = arith.constant 0 : i32
      %dma_start3A_89 = arith.constant 0 : i32
      %dma_start3A_90 = tpu.memref_slice %arg3[%dma_start3A_88, %dma_start3A_89] : memref<1000000x64xf32, #tpu.memory_space<hbm>> -> memref<1000000x64xf32, #tpu.memory_space<hbm>>
      tpu.enqueue_indirect_dma source(%dma_start3A_90 : memref<1000000x64xf32, #tpu.memory_space<hbm>>) target(%dma_start3A_85 : memref<128x64xf32, #tpu.memory_space<vmem>>) offsets(%dma_start3A_87 : memref<128xi32, #tpu.memory_space<vmem>>) semaphore(%arg12 : memref<!tpu.dma_semaphore, #tpu.memory_space<semaphore_mem>>)
      %dma_start3A_91 = arith.constant 256 : i32
      %dma_start3A_92 = arith.constant 0 : i32
      %dma_start3A_93 = tpu.memref_slice %arg8[%dma_start3A_91, %dma_start3A_92] : memref<512x64xf32, #tpu.memory_space<vmem>> -> memref<128x64xf32, #tpu.memory_space<vmem>>
      %dma_start3A_94 = arith.constant 256 : i32
      %dma_start3A_95 = tpu.memref_slice %arg6[%dma_start3A_94] : memref<512xi32, #tpu.memory_space<vmem>> -> memref<128xi32, #tpu.memory_space<vmem>>
      %dma_start3A_96 = arith.constant 0 : i32
      %dma_start3A_97 = arith.constant 0 : i32
      %dma_start3A_98 = tpu.memref_slice %arg3[%dma_start3A_96, %dma_start3A_97] : memref<1000000x64xf32, #tpu.memory_space<hbm>> -> memref<1000000x64xf32, #tpu.memory_space<hbm>>
      tpu.enqueue_indirect_dma source(%dma_start3A_98 : memref<1000000x64xf32, #tpu.memory_space<hbm>>) target(%dma_start3A_93 : memref<128x64xf32, #tpu.memory_space<vmem>>) offsets(%dma_start3A_95 : memref<128xi32, #tpu.memory_space<vmem>>) semaphore(%arg12 : memref<!tpu.dma_semaphore, #tpu.memory_space<semaphore_mem>>)
      %dma_start3A_99 = arith.constant 384 : i32
      %dma_start3A_100 = arith.constant 0 : i32
      %dma_start3A_101 = tpu.memref_slice %arg8[%dma_start3A_99, %dma_start3A_100] : memref<512x64xf32, #tpu.memory_space<vmem>> -> memref<128x64xf32, #tpu.memory_space<vmem>>
      %dma_start3A_102 = arith.constant 384 : i32
      %dma_start3A_103 = tpu.memref_slice %arg6[%dma_start3A_102] : memref<512xi32, #tpu.memory_space<vmem>> -> memref<128xi32, #tpu.memory_space<vmem>>
      %dma_start3A_104 = arith.constant 0 : i32
      %dma_start3A_105 = arith.constant 0 : i32
      %dma_start3A_106 = tpu.memref_slice %arg3[%dma_start3A_104, %dma_start3A_105] : memref<1000000x64xf32, #tpu.memory_space<hbm>> -> memref<1000000x64xf32, #tpu.memory_space<hbm>>
      tpu.enqueue_indirect_dma source(%dma_start3A_106 : memref<1000000x64xf32, #tpu.memory_space<hbm>>) target(%dma_start3A_101 : memref<128x64xf32, #tpu.memory_space<vmem>>) offsets(%dma_start3A_103 : memref<128xi32, #tpu.memory_space<vmem>>) semaphore(%arg12 : memref<!tpu.dma_semaphore, #tpu.memory_space<semaphore_mem>>)
      %dma_wait3A_107 = arith.constant 0 : i32
      %dma_wait3A_108 = arith.constant 0 : i32
      %dma_wait3A_109 = tpu.memref_slice %arg7[%dma_wait3A_107, %dma_wait3A_108] : memref<512x64xf32, #tpu.memory_space<vmem>> -> memref<128x64xf32, #tpu.memory_space<vmem>>
      %dma_wait3A_110 = arith.constant 0 : i32
      %dma_wait3A_111 = tpu.memref_slice %arg5[%dma_wait3A_110] : memref<512xi32, #tpu.memory_space<vmem>> -> memref<128xi32, #tpu.memory_space<vmem>>
      %dma_wait3A_112 = arith.constant 0 : i32
      %dma_wait3A_113 = arith.constant 0 : i32
      %dma_wait3A_114 = tpu.memref_slice %arg3[%dma_wait3A_112, %dma_wait3A_113] : memref<1000000x64xf32, #tpu.memory_space<hbm>> -> memref<1000000x64xf32, #tpu.memory_space<hbm>>
      tpu.wait_indirect_dma semaphore(%arg11 : memref<!tpu.dma_semaphore, #tpu.memory_space<semaphore_mem>>) src(%dma_wait3A_114 : memref<1000000x64xf32, #tpu.memory_space<hbm>>) dst(%dma_wait3A_109 : memref<128x64xf32, #tpu.memory_space<vmem>>)
      %dma_wait3A_115 = arith.constant 128 : i32
      %dma_wait3A_116 = arith.constant 0 : i32
      %dma_wait3A_117 = tpu.memref_slice %arg7[%dma_wait3A_115, %dma_wait3A_116] : memref<512x64xf32, #tpu.memory_space<vmem>> -> memref<128x64xf32, #tpu.memory_space<vmem>>
      %dma_wait3A_118 = arith.constant 128 : i32
      %dma_wait3A_119 = tpu.memref_slice %arg5[%dma_wait3A_118] : memref<512xi32, #tpu.memory_space<vmem>> -> memref<128xi32, #tpu.memory_space<vmem>>
      %dma_wait3A_120 = arith.constant 0 : i32
      %dma_wait3A_121 = arith.constant 0 : i32
      %dma_wait3A_122 = tpu.memref_slice %arg3[%dma_wait3A_120, %dma_wait3A_121] : memref<1000000x64xf32, #tpu.memory_space<hbm>> -> memref<1000000x64xf32, #tpu.memory_space<hbm>>
      tpu.wait_indirect_dma semaphore(%arg11 : memref<!tpu.dma_semaphore, #tpu.memory_space<semaphore_mem>>) src(%dma_wait3A_122 : memref<1000000x64xf32, #tpu.memory_space<hbm>>) dst(%dma_wait3A_117 : memref<128x64xf32, #tpu.memory_space<vmem>>)
      %dma_wait3A_123 = arith.constant 256 : i32
      %dma_wait3A_124 = arith.constant 0 : i32
      %dma_wait3A_125 = tpu.memref_slice %arg7[%dma_wait3A_123, %dma_wait3A_124] : memref<512x64xf32, #tpu.memory_space<vmem>> -> memref<128x64xf32, #tpu.memory_space<vmem>>
      %dma_wait3A_126 = arith.constant 256 : i32
      %dma_wait3A_127 = tpu.memref_slice %arg5[%dma_wait3A_126] : memref<512xi32, #tpu.memory_space<vmem>> -> memref<128xi32, #tpu.memory_space<vmem>>
      %dma_wait3A_128 = arith.constant 0 : i32
      %dma_wait3A_129 = arith.constant 0 : i32
      %dma_wait3A_130 = tpu.memref_slice %arg3[%dma_wait3A_128, %dma_wait3A_129] : memref<1000000x64xf32, #tpu.memory_space<hbm>> -> memref<1000000x64xf32, #tpu.memory_space<hbm>>
      tpu.wait_indirect_dma semaphore(%arg11 : memref<!tpu.dma_semaphore, #tpu.memory_space<semaphore_mem>>) src(%dma_wait3A_130 : memref<1000000x64xf32, #tpu.memory_space<hbm>>) dst(%dma_wait3A_125 : memref<128x64xf32, #tpu.memory_space<vmem>>)
      %dma_wait3A_131 = arith.constant 384 : i32
      %dma_wait3A_132 = arith.constant 0 : i32
      %dma_wait3A_133 = tpu.memref_slice %arg7[%dma_wait3A_131, %dma_wait3A_132] : memref<512x64xf32, #tpu.memory_space<vmem>> -> memref<128x64xf32, #tpu.memory_space<vmem>>
      %dma_wait3A_134 = arith.constant 384 : i32
      %dma_wait3A_135 = tpu.memref_slice %arg5[%dma_wait3A_134] : memref<512xi32, #tpu.memory_space<vmem>> -> memref<128xi32, #tpu.memory_space<vmem>>
      %dma_wait3A_136 = arith.constant 0 : i32
      %dma_wait3A_137 = arith.constant 0 : i32
      %dma_wait3A_138 = tpu.memref_slice %arg3[%dma_wait3A_136, %dma_wait3A_137] : memref<1000000x64xf32, #tpu.memory_space<hbm>> -> memref<1000000x64xf32, #tpu.memory_space<hbm>>
      tpu.wait_indirect_dma semaphore(%arg11 : memref<!tpu.dma_semaphore, #tpu.memory_space<semaphore_mem>>) src(%dma_wait3A_138 : memref<1000000x64xf32, #tpu.memory_space<hbm>>) dst(%dma_wait3A_133 : memref<128x64xf32, #tpu.memory_space<vmem>>)
      %lt3A = arith.constant 24 : i32
      %lt3A_139 = arith.cmpi slt, %scan3A_63, %lt3A : i32
      %convert_element_type3A_140 = arith.extui %lt3A_139 : i1 to i32
      %cond3A_141 = arith.constant 0 : i32
      %cond3A_142 = arith.cmpi ne, %convert_element_type3A_140, %cond3A_141 : i32
      scf.if %cond3A_142 {
        %add3A_204 = arith.constant 2 : i32
        %add3A_205 = arith.addi %mul3A_65, %add3A_204 : i32
        %mul3A_206 = arith.constant 512 : i32
        %mul3A_207 = arith.muli %add3A_205, %mul3A_206 : i32
        %add3A_208 = arith.addi %mul3A_2, %mul3A_207 : i32
        %dma_start3A_209 = tpu.memref_slice %arg2[%add3A_208] : memref<819200xi32, #tpu.memory_space<hbm>> -> memref<512xi32, #tpu.memory_space<hbm>>
        %dma_start3A_210 = tpu.memref_slice %arg2[%add3A_208] : memref<819200xi32, #tpu.memory_space<hbm>> -> memref<512xi32, #tpu.memory_space<hbm>>
        tpu.enqueue_dma source(%dma_start3A_210 : memref<512xi32, #tpu.memory_space<hbm>>) target(%arg5 : memref<512xi32, #tpu.memory_space<vmem>>) target_semaphore(%arg9 : memref<!tpu.dma_semaphore, #tpu.memory_space<semaphore_mem>>)
      } else {
      }
      %parallel_loop3A = arith.constant 0 : i32
      %parallel_loop3A_143 = arith.constant 512 : i32
      %parallel_loop3A_144 = arith.constant 1 : i32
      scf.for %parallel_loop3A_204 = %parallel_loop3A to %parallel_loop3A_143 step %parallel_loop3A_144  : i32 {
        %parallel_loop3A_205 = arith.index_cast %parallel_loop3A_204 : i32 to index
        %parallel_loop3A_206 = arith.constant 0 : index
        %parallel_loop3A_207 = tpu.vector_load %arg7[%parallel_loop3A_205, %parallel_loop3A_206] {strides = array<i32>} : memref<512x64xf32, #tpu.memory_space<vmem>>, vector<1x16xf32>,
        %parallel_loop3A_208 = vector.shape_cast %parallel_loop3A_207 : vector<1x16xf32> to vector<16xf32>
        %parallel_loop3A_209 = arith.addf %parallel_loop3A_208, %broadcast_in_dim3A_3 : vector<16xf32>
        %parallel_loop3A_210 = arith.index_cast %parallel_loop3A_204 : i32 to index
        %parallel_loop3A_211 = arith.constant 0 : index
        %parallel_loop3A_212 = tpu.vector_load %arg7[%parallel_loop3A_210, %parallel_loop3A_211] {strides = array<i32>} : memref<512x64xf32, #tpu.memory_space<vmem>>, vector<1x16xf32>,
        %parallel_loop3A_213 = vector.shape_cast %parallel_loop3A_212 : vector<1x16xf32> to vector<16xf32>
        %parallel_loop3A_214 = vector.shape_cast %parallel_loop3A_209 : vector<16xf32> to vector<1x16xf32>
        tpu.vector_store %arg7[%parallel_loop3A_210, %parallel_loop3A_211], %parallel_loop3A_214 {strides = array<i32>} : memref<512x64xf32, #tpu.memory_space<vmem>>, vector<1x16xf32>,
        %parallel_loop3A_215 = arith.index_cast %parallel_loop3A_204 : i32 to index
        %parallel_loop3A_216 = arith.constant 16 : index
        %parallel_loop3A_217 = tpu.vector_load %arg7[%parallel_loop3A_215, %parallel_loop3A_216] {strides = array<i32>} : memref<512x64xf32, #tpu.memory_space<vmem>>, vector<1x16xf32>,
        %parallel_loop3A_218 = vector.shape_cast %parallel_loop3A_217 : vector<1x16xf32> to vector<16xf32>
        %parallel_loop3A_219 = arith.addf %parallel_loop3A_218, %broadcast_in_dim3A_3 : vector<16xf32>
        %parallel_loop3A_220 = arith.index_cast %parallel_loop3A_204 : i32 to index
        %parallel_loop3A_221 = arith.constant 16 : index
        %parallel_loop3A_222 = tpu.vector_load %arg7[%parallel_loop3A_220, %parallel_loop3A_221] {strides = array<i32>} : memref<512x64xf32, #tpu.memory_space<vmem>>, vector<1x16xf32>,
        %parallel_loop3A_223 = vector.shape_cast %parallel_loop3A_222 : vector<1x16xf32> to vector<16xf32>
        %parallel_loop3A_224 = vector.shape_cast %parallel_loop3A_219 : vector<16xf32> to vector<1x16xf32>
        tpu.vector_store %arg7[%parallel_loop3A_220, %parallel_loop3A_221], %parallel_loop3A_224 {strides = array<i32>} : memref<512x64xf32, #tpu.memory_space<vmem>>, vector<1x16xf32>,
        %parallel_loop3A_225 = arith.index_cast %parallel_loop3A_204 : i32 to index
        %parallel_loop3A_226 = arith.constant 32 : index
        %parallel_loop3A_227 = tpu.vector_load %arg7[%parallel_loop3A_225, %parallel_loop3A_226] {strides = array<i32>} : memref<512x64xf32, #tpu.memory_space<vmem>>, vector<1x16xf32>,
        %parallel_loop3A_228 = vector.shape_cast %parallel_loop3A_227 : vector<1x16xf32> to vector<16xf32>
        %parallel_loop3A_229 = arith.addf %parallel_loop3A_228, %broadcast_in_dim3A_3 : vector<16xf32>
        %parallel_loop3A_230 = arith.index_cast %parallel_loop3A_204 : i32 to index
        %parallel_loop3A_231 = arith.constant 32 : index
        %parallel_loop3A_232 = tpu.vector_load %arg7[%parallel_loop3A_230, %parallel_loop3A_231] {strides = array<i32>} : memref<512x64xf32, #tpu.memory_space<vmem>>, vector<1x16xf32>,
        %parallel_loop3A_233 = vector.shape_cast %parallel_loop3A_232 : vector<1x16xf32> to vector<16xf32>
        %parallel_loop3A_234 = vector.shape_cast %parallel_loop3A_229 : vector<16xf32> to vector<1x16xf32>
        tpu.vector_store %arg7[%parallel_loop3A_230, %parallel_loop3A_231], %parallel_loop3A_234 {strides = array<i32>} : memref<512x64xf32, #tpu.memory_space<vmem>>, vector<1x16xf32>,
        %parallel_loop3A_235 = arith.index_cast %parallel_loop3A_204 : i32 to index
        %parallel_loop3A_236 = arith.constant 48 : index
        %parallel_loop3A_237 = tpu.vector_load %arg7[%parallel_loop3A_235, %parallel_loop3A_236] {strides = array<i32>} : memref<512x64xf32, #tpu.memory_space<vmem>>, vector<1x16xf32>,
        %parallel_loop3A_238 = vector.shape_cast %parallel_loop3A_237 : vector<1x16xf32> to vector<16xf32>
        %parallel_loop3A_239 = arith.addf %parallel_loop3A_238, %broadcast_in_dim3A_3 : vector<16xf32>
        %parallel_loop3A_240 = arith.index_cast %parallel_loop3A_204 : i32 to index
        %parallel_loop3A_241 = arith.constant 48 : index
        %parallel_loop3A_242 = tpu.vector_load %arg7[%parallel_loop3A_240, %parallel_loop3A_241] {strides = array<i32>} : memref<512x64xf32, #tpu.memory_space<vmem>>, vector<1x16xf32>,
        %parallel_loop3A_243 = vector.shape_cast %parallel_loop3A_242 : vector<1x16xf32> to vector<16xf32>
        %parallel_loop3A_244 = vector.shape_cast %parallel_loop3A_239 : vector<16xf32> to vector<1x16xf32>
        tpu.vector_store %arg7[%parallel_loop3A_240, %parallel_loop3A_241], %parallel_loop3A_244 {strides = array<i32>} : memref<512x64xf32, #tpu.memory_space<vmem>>, vector<1x16xf32>,
      } {sc.loop_unroll_factor = 4 : i64, sc.parallel_access}
      %mul3A_145 = arith.constant 512 : i32
      %mul3A_146 = arith.muli %mul3A_65, %mul3A_145 : i32
      %add3A_147 = arith.addi %mul3A_2, %mul3A_146 : i32
      %dma_start3A_148 = arith.constant 0 : i32
      %dma_start3A_149 = tpu.memref_slice %arg4[%add3A_147, %dma_start3A_148] : memref<819200x64xf32, #tpu.memory_space<hbm>> -> memref<512x64xf32, #tpu.memory_space<hbm>>
      %dma_start3A_150 = arith.constant 0 : i32
      %dma_start3A_151 = tpu.memref_slice %arg4[%add3A_147, %dma_start3A_150] : memref<819200x64xf32, #tpu.memory_space<hbm>> -> memref<512x64xf32, #tpu.memory_space<hbm>>
      tpu.enqueue_dma source(%arg7 : memref<512x64xf32, #tpu.memory_space<vmem>>) target(%dma_start3A_151 : memref<512x64xf32, #tpu.memory_space<hbm>>) target_semaphore(%arg13 : memref<!tpu.dma_semaphore, #tpu.memory_space<semaphore_mem>>)
      %lt3A_152 = arith.constant 24 : i32
      %lt3A_153 = arith.cmpi slt, %scan3A_63, %lt3A_152 : i32
      %convert_element_type3A_154 = arith.extui %lt3A_153 : i1 to i32
      %cond3A_155 = arith.constant 0 : i32
      %cond3A_156 = arith.cmpi ne, %convert_element_type3A_154, %cond3A_155 : i32
      scf.if %cond3A_156 {
        %add3A_204 = arith.constant 1 : i32
        %add3A_205 = arith.addi %add3A_67, %add3A_204 : i32
        %mul3A_206 = arith.constant 512 : i32
        %mul3A_207 = arith.muli %add3A_205, %mul3A_206 : i32
        %add3A_208 = arith.addi %mul3A_2, %mul3A_207 : i32
        %dma_wait3A_209 = tpu.memref_slice %arg2[%add3A_208] : memref<819200xi32, #tpu.memory_space<hbm>> -> memref<512xi32, #tpu.memory_space<hbm>>
        %dma_wait3A_210 = tpu.memref_slice %arg2[%add3A_208] : memref<819200xi32, #tpu.memory_space<hbm>> -> memref<512xi32, #tpu.memory_space<hbm>>
        tpu.wait_dma2 semaphore(%arg9 : memref<!tpu.dma_semaphore, #tpu.memory_space<semaphore_mem>>) src(%dma_wait3A_210 : memref<512xi32, #tpu.memory_space<hbm>>) dst(%arg5 : memref<512xi32, #tpu.memory_space<vmem>>)
        %mul3A_211 = arith.constant 512 : i32
        %mul3A_212 = arith.muli %mul3A_65, %mul3A_211 : i32
        %add3A_213 = arith.addi %mul3A_2, %mul3A_212 : i32
        %dma_wait3A_214 = arith.constant 0 : i32
        %dma_wait3A_215 = tpu.memref_slice %arg4[%add3A_213, %dma_wait3A_214] : memref<819200x64xf32, #tpu.memory_space<hbm>> -> memref<512x64xf32, #tpu.memory_space<hbm>>
        %dma_wait3A_216 = arith.constant 0 : i32
        %dma_wait3A_217 = tpu.memref_slice %arg4[%add3A_213, %dma_wait3A_216] : memref<819200x64xf32, #tpu.memory_space<hbm>> -> memref<512x64xf32, #tpu.memory_space<hbm>>
        tpu.wait_dma2 semaphore(%arg13 : memref<!tpu.dma_semaphore, #tpu.memory_space<semaphore_mem>>) src(%arg7 : memref<512x64xf32, #tpu.memory_space<vmem>>) dst(%dma_wait3A_217 : memref<512x64xf32, #tpu.memory_space<hbm>>)
        %dma_start3A_218 = arith.constant 0 : i32
        %dma_start3A_219 = arith.constant 0 : i32
        %dma_start3A_220 = tpu.memref_slice %arg7[%dma_start3A_218, %dma_start3A_219] : memref<512x64xf32, #tpu.memory_space<vmem>> -> memref<128x64xf32, #tpu.memory_space<vmem>>
        %dma_start3A_221 = arith.constant 0 : i32
        %dma_start3A_222 = tpu.memref_slice %arg5[%dma_start3A_221] : memref<512xi32, #tpu.memory_space<vmem>> -> memref<128xi32, #tpu.memory_space<vmem>>
        %dma_start3A_223 = arith.constant 0 : i32
        %dma_start3A_224 = arith.constant 0 : i32
        %dma_start3A_225 = tpu.memref_slice %arg3[%dma_start3A_223, %dma_start3A_224] : memref<1000000x64xf32, #tpu.memory_space<hbm>> -> memref<1000000x64xf32, #tpu.memory_space<hbm>>
        tpu.enqueue_indirect_dma source(%dma_start3A_225 : memref<1000000x64xf32, #tpu.memory_space<hbm>>) target(%dma_start3A_220 : memref<128x64xf32, #tpu.memory_space<vmem>>) offsets(%dma_start3A_222 : memref<128xi32, #tpu.memory_space<vmem>>) semaphore(%arg11 : memref<!tpu.dma_semaphore, #tpu.memory_space<semaphore_mem>>)
        %dma_start3A_226 = arith.constant 128 : i32
        %dma_start3A_227 = arith.constant 0 : i32
        %dma_start3A_228 = tpu.memref_slice %arg7[%dma_start3A_226, %dma_start3A_227] : memref<512x64xf32, #tpu.memory_space<vmem>> -> memref<128x64xf32, #tpu.memory_space<vmem>>
        %dma_start3A_229 = arith.constant 128 : i32
        %dma_start3A_230 = tpu.memref_slice %arg5[%dma_start3A_229] : memref<512xi32, #tpu.memory_space<vmem>> -> memref<128xi32, #tpu.memory_space<vmem>>
        %dma_start3A_231 = arith.constant 0 : i32
        %dma_start3A_232 = arith.constant 0 : i32
        %dma_start3A_233 = tpu.memref_slice %arg3[%dma_start3A_231, %dma_start3A_232] : memref<1000000x64xf32, #tpu.memory_space<hbm>> -> memref<1000000x64xf32, #tpu.memory_space<hbm>>
        tpu.enqueue_indirect_dma source(%dma_start3A_233 : memref<1000000x64xf32, #tpu.memory_space<hbm>>) target(%dma_start3A_228 : memref<128x64xf32, #tpu.memory_space<vmem>>) offsets(%dma_start3A_230 : memref<128xi32, #tpu.memory_space<vmem>>) semaphore(%arg11 : memref<!tpu.dma_semaphore, #tpu.memory_space<semaphore_mem>>)
        %dma_start3A_234 = arith.constant 256 : i32
        %dma_start3A_235 = arith.constant 0 : i32
        %dma_start3A_236 = tpu.memref_slice %arg7[%dma_start3A_234, %dma_start3A_235] : memref<512x64xf32, #tpu.memory_space<vmem>> -> memref<128x64xf32, #tpu.memory_space<vmem>>
        %dma_start3A_237 = arith.constant 256 : i32
        %dma_start3A_238 = tpu.memref_slice %arg5[%dma_start3A_237] : memref<512xi32, #tpu.memory_space<vmem>> -> memref<128xi32, #tpu.memory_space<vmem>>
        %dma_start3A_239 = arith.constant 0 : i32
        %dma_start3A_240 = arith.constant 0 : i32
        %dma_start3A_241 = tpu.memref_slice %arg3[%dma_start3A_239, %dma_start3A_240] : memref<1000000x64xf32, #tpu.memory_space<hbm>> -> memref<1000000x64xf32, #tpu.memory_space<hbm>>
        tpu.enqueue_indirect_dma source(%dma_start3A_241 : memref<1000000x64xf32, #tpu.memory_space<hbm>>) target(%dma_start3A_236 : memref<128x64xf32, #tpu.memory_space<vmem>>) offsets(%dma_start3A_238 : memref<128xi32, #tpu.memory_space<vmem>>) semaphore(%arg11 : memref<!tpu.dma_semaphore, #tpu.memory_space<semaphore_mem>>)
        %dma_start3A_242 = arith.constant 384 : i32
        %dma_start3A_243 = arith.constant 0 : i32
        %dma_start3A_244 = tpu.memref_slice %arg7[%dma_start3A_242, %dma_start3A_243] : memref<512x64xf32, #tpu.memory_space<vmem>> -> memref<128x64xf32, #tpu.memory_space<vmem>>
        %dma_start3A_245 = arith.constant 384 : i32
        %dma_start3A_246 = tpu.memref_slice %arg5[%dma_start3A_245] : memref<512xi32, #tpu.memory_space<vmem>> -> memref<128xi32, #tpu.memory_space<vmem>>
        %dma_start3A_247 = arith.constant 0 : i32
        %dma_start3A_248 = arith.constant 0 : i32
        %dma_start3A_249 = tpu.memref_slice %arg3[%dma_start3A_247, %dma_start3A_248] : memref<1000000x64xf32, #tpu.memory_space<hbm>> -> memref<1000000x64xf32, #tpu.memory_space<hbm>>
        tpu.enqueue_indirect_dma source(%dma_start3A_249 : memref<1000000x64xf32, #tpu.memory_space<hbm>>) target(%dma_start3A_244 : memref<128x64xf32, #tpu.memory_space<vmem>>) offsets(%dma_start3A_246 : memref<128xi32, #tpu.memory_space<vmem>>) semaphore(%arg11 : memref<!tpu.dma_semaphore, #tpu.memory_space<semaphore_mem>>)
      } else {
      }
      %dma_wait3A_157 = arith.constant 0 : i32
      %dma_wait3A_158 = arith.constant 0 : i32
      %dma_wait3A_159 = tpu.memref_slice %arg8[%dma_wait3A_157, %dma_wait3A_158] : memref<512x64xf32, #tpu.memory_space<vmem>> -> memref<128x64xf32, #tpu.memory_space<vmem>>
      %dma_wait3A_160 = arith.constant 0 : i32
      %dma_wait3A_161 = tpu.memref_slice %arg6[%dma_wait3A_160] : memref<512xi32, #tpu.memory_space<vmem>> -> memref<128xi32, #tpu.memory_space<vmem>>
      %dma_wait3A_162 = arith.constant 0 : i32
      %dma_wait3A_163 = arith.constant 0 : i32
      %dma_wait3A_164 = tpu.memref_slice %arg3[%dma_wait3A_162, %dma_wait3A_163] : memref<1000000x64xf32, #tpu.memory_space<hbm>> -> memref<1000000x64xf32, #tpu.memory_space<hbm>>
      tpu.wait_indirect_dma semaphore(%arg12 : memref<!tpu.dma_semaphore, #tpu.memory_space<semaphore_mem>>) src(%dma_wait3A_164 : memref<1000000x64xf32, #tpu.memory_space<hbm>>) dst(%dma_wait3A_159 : memref<128x64xf32, #tpu.memory_space<vmem>>)
      %dma_wait3A_165 = arith.constant 128 : i32
      %dma_wait3A_166 = arith.constant 0 : i32
      %dma_wait3A_167 = tpu.memref_slice %arg8[%dma_wait3A_165, %dma_wait3A_166] : memref<512x64xf32, #tpu.memory_space<vmem>> -> memref<128x64xf32, #tpu.memory_space<vmem>>
      %dma_wait3A_168 = arith.constant 128 : i32
      %dma_wait3A_169 = tpu.memref_slice %arg6[%dma_wait3A_168] : memref<512xi32, #tpu.memory_space<vmem>> -> memref<128xi32, #tpu.memory_space<vmem>>
      %dma_wait3A_170 = arith.constant 0 : i32
      %dma_wait3A_171 = arith.constant 0 : i32
      %dma_wait3A_172 = tpu.memref_slice %arg3[%dma_wait3A_170, %dma_wait3A_171] : memref<1000000x64xf32, #tpu.memory_space<hbm>> -> memref<1000000x64xf32, #tpu.memory_space<hbm>>
      tpu.wait_indirect_dma semaphore(%arg12 : memref<!tpu.dma_semaphore, #tpu.memory_space<semaphore_mem>>) src(%dma_wait3A_172 : memref<1000000x64xf32, #tpu.memory_space<hbm>>) dst(%dma_wait3A_167 : memref<128x64xf32, #tpu.memory_space<vmem>>)
      %dma_wait3A_173 = arith.constant 256 : i32
      %dma_wait3A_174 = arith.constant 0 : i32
      %dma_wait3A_175 = tpu.memref_slice %arg8[%dma_wait3A_173, %dma_wait3A_174] : memref<512x64xf32, #tpu.memory_space<vmem>> -> memref<128x64xf32, #tpu.memory_space<vmem>>
      %dma_wait3A_176 = arith.constant 256 : i32
      %dma_wait3A_177 = tpu.memref_slice %arg6[%dma_wait3A_176] : memref<512xi32, #tpu.memory_space<vmem>> -> memref<128xi32, #tpu.memory_space<vmem>>
      %dma_wait3A_178 = arith.constant 0 : i32
      %dma_wait3A_179 = arith.constant 0 : i32
      %dma_wait3A_180 = tpu.memref_slice %arg3[%dma_wait3A_178, %dma_wait3A_179] : memref<1000000x64xf32, #tpu.memory_space<hbm>> -> memref<1000000x64xf32, #tpu.memory_space<hbm>>
      tpu.wait_indirect_dma semaphore(%arg12 : memref<!tpu.dma_semaphore, #tpu.memory_space<semaphore_mem>>) src(%dma_wait3A_180 : memref<1000000x64xf32, #tpu.memory_space<hbm>>) dst(%dma_wait3A_175 : memref<128x64xf32, #tpu.memory_space<vmem>>)
      %dma_wait3A_181 = arith.constant 384 : i32
      %dma_wait3A_182 = arith.constant 0 : i32
      %dma_wait3A_183 = tpu.memref_slice %arg8[%dma_wait3A_181, %dma_wait3A_182] : memref<512x64xf32, #tpu.memory_space<vmem>> -> memref<128x64xf32, #tpu.memory_space<vmem>>
      %dma_wait3A_184 = arith.constant 384 : i32
      %dma_wait3A_185 = tpu.memref_slice %arg6[%dma_wait3A_184] : memref<512xi32, #tpu.memory_space<vmem>> -> memref<128xi32, #tpu.memory_space<vmem>>
      %dma_wait3A_186 = arith.constant 0 : i32
      %dma_wait3A_187 = arith.constant 0 : i32
      %dma_wait3A_188 = tpu.memref_slice %arg3[%dma_wait3A_186, %dma_wait3A_187] : memref<1000000x64xf32, #tpu.memory_space<hbm>> -> memref<1000000x64xf32, #tpu.memory_space<hbm>>
      tpu.wait_indirect_dma semaphore(%arg12 : memref<!tpu.dma_semaphore, #tpu.memory_space<semaphore_mem>>) src(%dma_wait3A_188 : memref<1000000x64xf32, #tpu.memory_space<hbm>>) dst(%dma_wait3A_183 : memref<128x64xf32, #tpu.memory_space<vmem>>)
      %lt3A_189 = arith.constant 24 : i32
      %lt3A_190 = arith.cmpi slt, %scan3A_63, %lt3A_189 : i32
      %convert_element_type3A_191 = arith.extui %lt3A_190 : i1 to i32
      %cond3A_192 = arith.constant 0 : i32
      %cond3A_193 = arith.cmpi ne, %convert_element_type3A_191, %cond3A_192 : i32
      scf.if %cond3A_193 {
        %add3A_204 = arith.constant 2 : i32
        %add3A_205 = arith.addi %add3A_67, %add3A_204 : i32
        %mul3A_206 = arith.constant 512 : i32
        %mul3A_207 = arith.muli %add3A_205, %mul3A_206 : i32
        %add3A_208 = arith.addi %mul3A_2, %mul3A_207 : i32
        %dma_start3A_209 = tpu.memref_slice %arg2[%add3A_208] : memref<819200xi32, #tpu.memory_space<hbm>> -> memref<512xi32, #tpu.memory_space<hbm>>
        %dma_start3A_210 = tpu.memref_slice %arg2[%add3A_208] : memref<819200xi32, #tpu.memory_space<hbm>> -> memref<512xi32, #tpu.memory_space<hbm>>
        tpu.enqueue_dma source(%dma_start3A_210 : memref<512xi32, #tpu.memory_space<hbm>>) target(%arg6 : memref<512xi32, #tpu.memory_space<vmem>>) target_semaphore(%arg10 : memref<!tpu.dma_semaphore, #tpu.memory_space<semaphore_mem>>)
      } else {
      }
      %parallel_loop3A_194 = arith.constant 0 : i32
      %parallel_loop3A_195 = arith.constant 512 : i32
      %parallel_loop3A_196 = arith.constant 1 : i32
      scf.for %parallel_loop3A_204 = %parallel_loop3A_194 to %parallel_loop3A_195 step %parallel_loop3A_196  : i32 {
        %parallel_loop3A_205 = arith.index_cast %parallel_loop3A_204 : i32 to index
        %parallel_loop3A_206 = arith.constant 0 : index
        %parallel_loop3A_207 = tpu.vector_load %arg8[%parallel_loop3A_205, %parallel_loop3A_206] {strides = array<i32>} : memref<512x64xf32, #tpu.memory_space<vmem>>, vector<1x16xf32>,
        %parallel_loop3A_208 = vector.shape_cast %parallel_loop3A_207 : vector<1x16xf32> to vector<16xf32>
        %parallel_loop3A_209 = arith.addf %parallel_loop3A_208, %broadcast_in_dim3A_3 : vector<16xf32>
        %parallel_loop3A_210 = arith.index_cast %parallel_loop3A_204 : i32 to index
        %parallel_loop3A_211 = arith.constant 0 : index
        %parallel_loop3A_212 = tpu.vector_load %arg8[%parallel_loop3A_210, %parallel_loop3A_211] {strides = array<i32>} : memref<512x64xf32, #tpu.memory_space<vmem>>, vector<1x16xf32>,
        %parallel_loop3A_213 = vector.shape_cast %parallel_loop3A_212 : vector<1x16xf32> to vector<16xf32>
        %parallel_loop3A_214 = vector.shape_cast %parallel_loop3A_209 : vector<16xf32> to vector<1x16xf32>
        tpu.vector_store %arg8[%parallel_loop3A_210, %parallel_loop3A_211], %parallel_loop3A_214 {strides = array<i32>} : memref<512x64xf32, #tpu.memory_space<vmem>>, vector<1x16xf32>,
        %parallel_loop3A_215 = arith.index_cast %parallel_loop3A_204 : i32 to index
        %parallel_loop3A_216 = arith.constant 16 : index
        %parallel_loop3A_217 = tpu.vector_load %arg8[%parallel_loop3A_215, %parallel_loop3A_216] {strides = array<i32>} : memref<512x64xf32, #tpu.memory_space<vmem>>, vector<1x16xf32>,
        %parallel_loop3A_218 = vector.shape_cast %parallel_loop3A_217 : vector<1x16xf32> to vector<16xf32>
        %parallel_loop3A_219 = arith.addf %parallel_loop3A_218, %broadcast_in_dim3A_3 : vector<16xf32>
        %parallel_loop3A_220 = arith.index_cast %parallel_loop3A_204 : i32 to index
        %parallel_loop3A_221 = arith.constant 16 : index
        %parallel_loop3A_222 = tpu.vector_load %arg8[%parallel_loop3A_220, %parallel_loop3A_221] {strides = array<i32>} : memref<512x64xf32, #tpu.memory_space<vmem>>, vector<1x16xf32>,
        %parallel_loop3A_223 = vector.shape_cast %parallel_loop3A_222 : vector<1x16xf32> to vector<16xf32>
        %parallel_loop3A_224 = vector.shape_cast %parallel_loop3A_219 : vector<16xf32> to vector<1x16xf32>
        tpu.vector_store %arg8[%parallel_loop3A_220, %parallel_loop3A_221], %parallel_loop3A_224 {strides = array<i32>} : memref<512x64xf32, #tpu.memory_space<vmem>>, vector<1x16xf32>,
        %parallel_loop3A_225 = arith.index_cast %parallel_loop3A_204 : i32 to index
        %parallel_loop3A_226 = arith.constant 32 : index
        %parallel_loop3A_227 = tpu.vector_load %arg8[%parallel_loop3A_225, %parallel_loop3A_226] {strides = array<i32>} : memref<512x64xf32, #tpu.memory_space<vmem>>, vector<1x16xf32>,
        %parallel_loop3A_228 = vector.shape_cast %parallel_loop3A_227 : vector<1x16xf32> to vector<16xf32>
        %parallel_loop3A_229 = arith.addf %parallel_loop3A_228, %broadcast_in_dim3A_3 : vector<16xf32>
        %parallel_loop3A_230 = arith.index_cast %parallel_loop3A_204 : i32 to index
        %parallel_loop3A_231 = arith.constant 32 : index
        %parallel_loop3A_232 = tpu.vector_load %arg8[%parallel_loop3A_230, %parallel_loop3A_231] {strides = array<i32>} : memref<512x64xf32, #tpu.memory_space<vmem>>, vector<1x16xf32>,
        %parallel_loop3A_233 = vector.shape_cast %parallel_loop3A_232 : vector<1x16xf32> to vector<16xf32>
        %parallel_loop3A_234 = vector.shape_cast %parallel_loop3A_229 : vector<16xf32> to vector<1x16xf32>
        tpu.vector_store %arg8[%parallel_loop3A_230, %parallel_loop3A_231], %parallel_loop3A_234 {strides = array<i32>} : memref<512x64xf32, #tpu.memory_space<vmem>>, vector<1x16xf32>,
        %parallel_loop3A_235 = arith.index_cast %parallel_loop3A_204 : i32 to index
        %parallel_loop3A_236 = arith.constant 48 : index
        %parallel_loop3A_237 = tpu.vector_load %arg8[%parallel_loop3A_235, %parallel_loop3A_236] {strides = array<i32>} : memref<512x64xf32, #tpu.memory_space<vmem>>, vector<1x16xf32>,
        %parallel_loop3A_238 = vector.shape_cast %parallel_loop3A_237 : vector<1x16xf32> to vector<16xf32>
        %parallel_loop3A_239 = arith.addf %parallel_loop3A_238, %broadcast_in_dim3A_3 : vector<16xf32>
        %parallel_loop3A_240 = arith.index_cast %parallel_loop3A_204 : i32 to index
        %parallel_loop3A_241 = arith.constant 48 : index
        %parallel_loop3A_242 = tpu.vector_load %arg8[%parallel_loop3A_240, %parallel_loop3A_241] {strides = array<i32>} : memref<512x64xf32, #tpu.memory_space<vmem>>, vector<1x16xf32>,
        %parallel_loop3A_243 = vector.shape_cast %parallel_loop3A_242 : vector<1x16xf32> to vector<16xf32>
        %parallel_loop3A_244 = vector.shape_cast %parallel_loop3A_239 : vector<16xf32> to vector<1x16xf32>
        tpu.vector_store %arg8[%parallel_loop3A_240, %parallel_loop3A_241], %parallel_loop3A_244 {strides = array<i32>} : memref<512x64xf32, #tpu.memory_space<vmem>>, vector<1x16xf32>,
      } {sc.loop_unroll_factor = 4 : i64, sc.parallel_access}
      %mul3A_197 = arith.constant 512 : i32
      %mul3A_198 = arith.muli %add3A_67, %mul3A_197 : i32
      %add3A_199 = arith.addi %mul3A_2, %mul3A_198 : i32
      %dma_start3A_200 = arith.constant 0 : i32
      %dma_start3A_201 = tpu.memref_slice %arg4[%add3A_199, %dma_start3A_200] : memref<819200x64xf32, #tpu.memory_space<hbm>> -> memref<512x64xf32, #tpu.memory_space<hbm>>
      %dma_start3A_202 = arith.constant 0 : i32
      %dma_start3A_203 = tpu.memref_slice %arg4[%add3A_199, %dma_start3A_202] : memref<819200x64xf32, #tpu.memory_space<hbm>> -> memref<512x64xf32, #tpu.memory_space<hbm>>
      tpu.enqueue_dma source(%arg8 : memref<512x64xf32, #tpu.memory_space<vmem>>) target(%dma_start3A_203 : memref<512x64xf32, #tpu.memory_space<hbm>>) target_semaphore(%arg14 : memref<!tpu.dma_semaphore, #tpu.memory_space<semaphore_mem>>)
    }
    %scan3A_50 = arith.constant 25 : i32
    %add3A_51 = arith.constant 24576 : i32
    %add3A_52 = arith.addi %mul3A_2, %add3A_51 : i32
    %dma_wait3A_53 = arith.constant 0 : i32
    %dma_wait3A_54 = tpu.memref_slice %arg4[%add3A_52, %dma_wait3A_53] : memref<819200x64xf32, #tpu.memory_space<hbm>> -> memref<512x64xf32, #tpu.memory_space<hbm>>
    %dma_wait3A_55 = arith.constant 0 : i32
    %dma_wait3A_56 = tpu.memref_slice %arg4[%add3A_52, %dma_wait3A_55] : memref<819200x64xf32, #tpu.memory_space<hbm>> -> memref<512x64xf32, #tpu.memory_space<hbm>>
    tpu.wait_dma2 semaphore(%arg13 : memref<!tpu.dma_semaphore, #tpu.memory_space<semaphore_mem>>) src(%arg7 : memref<512x64xf32, #tpu.memory_space<vmem>>) dst(%dma_wait3A_56 : memref<512x64xf32, #tpu.memory_space<hbm>>)
    %add3A_57 = arith.constant 25088 : i32
    %add3A_58 = arith.addi %mul3A_2, %add3A_57 : i32
    %dma_wait3A_59 = arith.constant 0 : i32
    %dma_wait3A_60 = tpu.memref_slice %arg4[%add3A_58, %dma_wait3A_59] : memref<819200x64xf32, #tpu.memory_space<hbm>> -> memref<512x64xf32, #tpu.memory_space<hbm>>
    %dma_wait3A_61 = arith.constant 0 : i32
    %dma_wait3A_62 = tpu.memref_slice %arg4[%add3A_58, %dma_wait3A_61] : memref<819200x64xf32, #tpu.memory_space<hbm>> -> memref<512x64xf32, #tpu.memory_space<hbm>>
    tpu.wait_dma2 semaphore(%arg14 : memref<!tpu.dma_semaphore, #tpu.memory_space<semaphore_mem>>) src(%arg8 : memref<512x64xf32, #tpu.memory_space<vmem>>) dst(%dma_wait3A_62 : memref<512x64xf32, #tpu.memory_space<hbm>>)
    return
  }
}

</mosaic_0001>

<sc_bundles>
// kernel: kernel.3.cloned.1.call-start
scs
__scs_entry_jumppad:
0x0: {  	(pc) =	sbr.rel $0x88, $3  }
0x1: {  	(tag) =	ssettag $0x0;
	lr =	simm.s32 $0x1  }
0x2: {  	[smem:$0x3F9F] =	sst lr;
	_ =	strace $0xD0000000  }
0x3: {  	_ = 	snop  }
0x4: {  	_ = 	snop  }
0x5: {  	_ = 	snop  }
0x6: {  	_ = 	snop  }
0x7: {  	_ = 	snop  }
__scs_overlays_trampoline_lowered:
0x8: {  	[smem:$0x3FAE] =	sst s0  }
0x9: {  	[smem:$0x3FAF] =	sst s1  }
0xa: {  	[smem:$0x3FB0] =	sst s2  }
0xb: {  	[smem:$0x3FB1] =	sst s3  }
0xc: {  	[smem:$0x3FB2] =	sst s4  }
0xd: {  	[smem:$0x3FB3] =	sst s5  }
0xe: {  	[smem:$0x3FB4] =	sst s6  }
0xf: {  	[smem:$0x3FB5] =	sst s7  }
0x10: {  	[smem:$0x3FB6] =	sst s8  }
0x11: {  	[smem:$0x3FB7] =	sst s9;
	s0 =	simm.s32 @!p0 $0x0  }
0x12: {  	s1 =	sld [smem:$0x3F9D];
	s0 =	simm.s32 @p0 $0x1  }
0x13: {  	[smem:$0x3FB8] =	sst s0;
	s0 =	simm.s32 @!p1 $0x0  }
0x14: {  	s2 =	sld [smem:$0x3F9C];
	s0 =	simm.s32 @p1 $0x1  }
0x15: {  	[smem:$0x3FB9] =	sst s0;
	s0 =	simm.s32 @!p2 $0x0  }
0x16: {  	s3 =	sld [smem:$0x3FDB];
	s0 =	simm.s32 @p2 $0x1  }
0x17: {  	s4 =	simm.s32 $0x1BF5;
	[smem:$0x3FBB] =	sst s0  }
0x18: {  	s0 =	sld [smem:$0x3F9E];
	_ =	swait.ge [sflag:s4], $0x0  }
0x19: {  	s7 =	sld [smem:$0x3F9F]  }
0x1a: {  	s8 =	sadd.s32 $0xFFFFE003, lr  }
0x1b: {  	s9 =	sadd.s32 $0xFFFFFEF7, lr;
	s5 =	simm.s32 $0xFFFFFFFF;
	p2 =	slt.u32 s8, $0xFFFFF086  }
0x1c: {  	p1 =	slt.u32 s9, $0xF7A;
	s5 =	simm.s32 @!p2 $0x0  }
0x1d: {  	s5 =	simm.s32 @p1 $0x1;
	p0 =	seq.s32 s7, s2  }
0x1e: {  	s7 =	smul.u32 @!p0 $0xF7A, s2;
	p2 =	seq.s32 @!p0 s5, $0x0  }
0x1f: {  	s9 =	smul.u32 $0xF7A, s1;
	s8 =	simm.s32 @!p0 $0x1BF5;
	p2 =	por !p2, p0  }
0x20: {  	[sflag:s8] =	ssyncset.s32 @!p0 $0xFFFFF086;
	s6 =	sadd.s32 @!p0 s3, s7;
	s7 =	simm.s32 @!p0 $0x108  }
0x21: {  	s3 =	sadd.s32 s3, s9;
	s6 =	sadd.s32 @!p0 $0x88, s6;
	s7 =	simm.s32 @p2 $0x1082  }
0x22: {  	[simem:s7], [sflag:s8] =	dma.local @!p0 [hbm:s6], $0xF7A  }
0x23: {  	s9 =	sor.u32 $0xD0000000, s2;
	s6 =	simm.s32 $0x108;
	_ =	swait.ge @!p0 [sflag:s8], $0x0  }
0x24: {  	s3 =	sadd.s32 $0x88, s3;
	s6 =	simm.s32 @!p1 $0x1082;
	[sflag:s4] =	ssyncset.s32 $0xFFFFF086  }
0x25: {  	[simem:s6], [sflag:s4] =	dma.local [hbm:s3], $0xF7A  }
0x26: {  	[smem:$0x3F9F] =	sst s1;
	(tag) =	ssettag s2;
	_ =	strace s9  }
0x27: {  	s1 =	sld [smem:$0x3FAF]  }
0x28: {  	s2 =	sld [smem:$0x3FB0]  }
0x29: {  	s4 =	sld [smem:$0x3FB2]  }
0x2a: {  	p0 =	seq.s32 s5, $0x0;
	s5 =	sld [smem:$0x3FB3]  }
0x2b: {  	s6 =	sld [smem:$0x3FB4]  }
0x2c: {  	s7 =	sld [smem:$0x3FB5]  }
0x2d: {  	s3 =	simm.s32 $0x108;
	s8 =	sld [smem:$0x3FB6]  }
0x2e: {  	s3 =	simm.s32 @!p0 $0x1082;
	s9 =	sld [smem:$0x3FB7]  }
0x2f: {  	lr =	sadd.s32 s0, s3;
	s0 =	sld [smem:$0x3FAE]  }
0x30: {  	s3 =	sld [smem:$0x3FB1]  }
0x31: {  	[smem:$0x3FBA] =	sst s10  }
0x32: {  	s10 =	sld [smem:$0x3FB8];
	_ =	sdelay $0x3  }
0x33: {  	p0 =	seq.s32 s10, $0x1;
	s10 =	sld [smem:$0x3FBA];
	_ =	sdelay $0x3  }
0x34: {  	[smem:$0x3FBA] =	sst s10  }
0x35: {  	s10 =	sld [smem:$0x3FB9];
	_ =	sdelay $0x3  }
0x36: {  	p1 =	seq.s32 s10, $0x1;
	s10 =	sld [smem:$0x3FBA];
	_ =	sdelay $0x3  }
0x37: {  	[smem:$0x3FBA] =	sst s10  }
0x38: {  	s10 =	sld [smem:$0x3FBB]  }
0x39: {  	_ = 	snop;
	(pc) =	sbr.ind lr, $3  }
0x3a: {  	_ = 	snop  }
0x3b: {  	_ = 	snop  }
0x3c: {  	p2 =	seq.s32 s10, $0x1;
	s10 =	sld [smem:$0x3FBA]  }
0x3d: {  	_ =	shalt  }
0x3e: {  	_ =	shalt  }
0x3f: {  	_ =	shalt  }
0x40: {  	_ =	shalt  }
0x41: {  	_ =	shalt  }
0x42: {  	_ =	shalt  }
0x43: {  	_ =	shalt  }
0x44: {  	_ =	shalt  }
0x45: {  	_ =	shalt  }
0x46: {  	_ =	shalt  }
0x47: {  	_ =	shalt  }
0x48: {  	_ =	shalt  }
0x49: {  	_ =	shalt  }
0x4a: {  	_ =	shalt  }
0x4b: {  	_ =	shalt  }
0x4c: {  	_ =	shalt  }
0x4d: {  	_ =	shalt  }
0x4e: {  	_ =	shalt  }
0x4f: {  	_ =	shalt  }
0x50: {  	_ =	shalt  }
0x51: {  	_ =	shalt  }
0x52: {  	_ =	shalt  }
0x53: {  	_ =	shalt  }
0x54: {  	_ =	shalt  }
0x55: {  	_ =	shalt  }
0x56: {  	_ =	shalt  }
0x57: {  	_ =	shalt  }
0x58: {  	_ =	shalt  }
0x59: {  	_ =	shalt  }
0x5a: {  	_ =	shalt  }
0x5b: {  	_ =	shalt  }
0x5c: {  	_ =	shalt  }
0x5d: {  	_ =	shalt  }
0x5e: {  	_ =	shalt  }
0x5f: {  	_ =	shalt  }
0x60: {  	_ =	shalt  }
0x61: {  	_ =	shalt  }
0x62: {  	_ =	shalt  }
0x63: {  	_ =	shalt  }
0x64: {  	_ =	shalt  }
0x65: {  	_ =	shalt  }
0x66: {  	_ =	shalt  }
0x67: {  	_ =	shalt  }
0x68: {  	_ =	shalt  }
0x69: {  	_ =	shalt  }
0x6a: {  	_ =	shalt  }
0x6b: {  	_ =	shalt  }
0x6c: {  	_ =	shalt  }
0x6d: {  	_ =	shalt  }
0x6e: {  	_ =	shalt  }
0x6f: {  	_ =	shalt  }
0x70: {  	_ =	shalt  }
0x71: {  	_ =	shalt  }
0x72: {  	_ =	shalt  }
0x73: {  	_ =	shalt  }
0x74: {  	_ =	shalt  }
0x75: {  	_ =	shalt  }
0x76: {  	_ =	shalt  }
0x77: {  	_ =	shalt  }
0x78: {  	_ =	shalt  }
0x79: {  	_ =	shalt  }
0x7a: {  	_ =	shalt  }
0x7b: {  	_ =	shalt  }
0x7c: {  	_ =	shalt  }
0x7d: {  	_ =	shalt  }
0x7e: {  	_ =	shalt  }
0x7f: {  	_ =	shalt  }
0x80: {  	_ =	shalt  }
0x81: {  	_ =	shalt  }
0x82: {  	_ =	shalt  }
0x83: {  	_ =	shalt  }
0x84: {  	_ =	shalt  }
0x85: {  	_ =	shalt  }
0x86: {  	_ =	shalt  }
0x87: {  	_ =	shalt  }
.Lfunc_end0:
.L_simem_size_0:
called_computation.1_lowered:
.L_overlay_start_0:
0x88: {  	s2 =	sld [smem:$0x3FD9]  }
0x89: {  	s3 =	sld [smem:$0x3FFE];
	_ =	sdelay $0x1  }
0x8a: {  	s1 =	srdreg.scid  }
0x8b: {  	s0 =	sand.u32 $0x1, s1  }
0x8c: {  	s17 =	sshll.u32 s0, $0xA;
	s2 =	sadd.s32 s3, s2  }
0x8d: {  	s2 =	sadd.s32 s2, s17  }
0x8e: {  	[smem:$0x3FC6] =	sst s2  }
0x8f: {  	_ = 	snop  }
0x90: {  	s2 =	sld [smem:$0x3FD0];
	(tm) =	ssettm $0x1  }
0x91: {  	s18 =	sld [smem:$0x3FFB];
	_ =	sdelay $0x3  }
0x92: {  	_ =	strace s18  }
0x93: {  	s3 =	sld [smem:$0x3FFC];
	_ =	sdelay $0x3  }
0x94: {  	_ =	strace s3  }
0x95: {  	s3 =	sld [smem:$0x3FFD];
	_ =	sdelay $0x3  }
0x96: {  	_ =	strace s3  }
0x97: {  	_ =	strace $0x8FFFFFFF  }
0x98: {  	s19 =	sld [smem:$0x3FDB];
	_ =	sdelay $0x1  }
0x99: {  	s4 =	simm.s32 $_scs_section_size  }
0x9a: {  	s5 =	simm.s32 $_size__tile_overlayer_lowered;
	s6 =	simm.s32 $_tile_overlayer_lowered  }
0x9b: {  	s22 =	simm.s32 $0x1BFF;
	s21 =	sshll.u32 s6, $0x1;
	s3 =	sadd.s32 s4, s19  }
0x9c: {  	s7 =	simm.s32 $0x0;
	s20 =	sshll.u32 s5, $0x1;
	s5 =	sadd.s32 s21, s3  }
0x9d: {  	[timem:s7], [sflag:s22] =	dma.local [hbm:s5], s20  }
0x9e: {  	_ =	swait.ge [sflag:s22], s20  }
0x9f: {  	s4 =	ssub.s32 $0x0, s20;
	[sflag:s22] =	ssyncset.done $0x0  }
0xa0: {  	[sflag:s22] =	ssyncadd.s32 s4;
	_ =	sdelay $0x1  }
0xa1: {  	s23 =	simm.s32 $0x1B8B  }
0xa2: {  	_ =	swait.ge [sflag:s23], $0x1  }
0xa3: {  	[sflag:s23] =	ssyncset.done $0x0  }
0xa4: {  	s25 =	simm.s32 $0x1B8E;
	s24 =	sld [smem:$0x3FFE];
	[sflag:s23] =	ssyncadd.s32 $0xFFFFFFFF  }
0xa5: {  	s26 =	simm.s32 $execute0_lowered;
	[smem:$0x3FD2] =	sst s25  }
0xa6: {  	s5 =	sshll.u32 s26, $0x1;
	_ =	strace $0x80000046;
	[dreg:$0x1] =	wrdreg $0xFFFFFFFF  }
0xa7: {  	s28 =	simm.s32 $_size_execute0_lowered;
	s3 =	sadd.s32 s3, s5;
	[dreg:$0x0] =	wrdreg $0x0  }
0xa8: {  	s5 =	sshll.u32 s28, $0x1;
	[dreg:$0x2] =	wrdreg s3  }
0xa9: {  	[dreg:$0x3] =	wrdreg s5  }
0xaa: {  	[dreg:$0x4] =	wrdreg $0xC0  }
0xab: {  	_ =	task [dreg:s7], $0x5FFFF  }
0xac: {  	[dreg:$0x1] =	wrdreg $0xFFFFFFFF  }
0xad: {  	[dreg:$0x0] =	wrdreg $0x60  }
0xae: {  	[dreg:$0x2] =	wrdreg s24  }
0xaf: {  	[dreg:$0x3] =	wrdreg s2  }
0xb0: {  	[dreg:$0x4] =	wrdreg $0x9  }
0xb1: {  	_ =	task.clear_ibuf [dreg:s7], $0x5FFFF;
	_ =	strace $0x90000046  }
0xb2: {  	s29 =	simm.s32 $0x9;
	_ =	strace $0x80000048  }
0xb3: {  	_ =	swait.ge [sflag:s29], $0x1  }
0xb4: {  	[sflag:s29] =	ssyncadd.s32 $0xFFFFFFFF  }
0xb5: {  	_ =	strace $0x90000048  }
0xb6: {  	_ =	sfence  }
0xb7: {  	s30 =	sld [smem:$0x0];
	_ =	sdelay $0x2  }
0xb8: {  	s31 =	sshll.u32 s1, $0xD;
	s1 =	sshrl.u32 s1, $0x2  }
0xb9: {  	s3 =	sand.u32 $0x4000, s31;
	s1 =	sadd.s32 s1, s30  }
0xba: {  	s0 =	sor.u32 s3, s0;
	s1 =	sshll.u32 s1, $0x11  }
0xbb: {  	s0 =	sor.u32 s1, s0  }
0xbc: {  	s0 =	sadd.s32 $0x8F2B, s0  }
0xbd: {  	[sflag:s0] =	ssyncadd.remote.s32 $0x1  }
0xbe: {  	_ =	sfence.sel $0xFFFF  }
0xbf: {  	[dreg:$0x0] =	wrdreg $0xFFFFFFFF;
	(pc) =	sbr.abs _section_cstart, $3  }
0xc0: {  	[dreg:$0x1] =	wrdreg $0xFFFFFFFF  }
0xc1: {  	_ =	task.clear_ibuf [dreg:s7], $0x2FFFF;
	_ =	strace $0x9FFFFFFF  }
0xc2: {  	(tm) =	ssettm $0x7FFFFFFF  }
0xc3: {  	_ =	shalt  }
tec
execute0_lowered:
.L_overlay_start_1:
0x0: {  	(tag) =	ssettag $0x1  }
0x1: {  	s0 =	srdreg.scid  }
0x2: {  	s2 =	stileid.u32;
	s1 =	rddreg [dreg:$0x0];
	s13 =	simm.s32 $0x200  }
0x3: {  	s15 =	simm.s32 $0x80;
	s16 =	simm.s32 $0x400;
	s22 =	simm.s32 $0x2  }
0x4: {  	s23 =	simm.s32 $0x8400;
	s24 =	simm.s32 $0x280;
	s25 =	simm.s32 $0xA400  }
0x5: {  	s28 =	simm.s32 $0xC400;
	s29 =	simm.s32 $0x380;
	s30 =	simm.s32 $0xE400  }
0x6: {  	s31 =	simm.s32 $0x3;
	s17 =	simm.s32 $0x6;
	s18 =	simm.s32 $0x0  }
0x7: {  	s0 =	sand.u32 $0x1, s0;
	s3 =	sshll.u32 s2, $0x1;
	s2 =	rddreg [dreg:$0x1]  }
0x8: {  	s4 =	sadd.s32 $0xA00, s1;
	s5 =	sor.u32 s0, s3;
	s3 =	simm.s32 $0x0  }
0x9: {  	s0 =	ssub.s32 $0x2, s0;
	s7 =	smul.u32 $0x6400, s5;
	[smem:$0x7FF] =	sst s3  }
0xa: {  	s8 =	sshrl.u32 s0, $0x1;
	s10 =	smul.u32 $0x190000, s5;
	_ =	strace $0x80000047  }
0xb: {  	s0 =	ssub.s32 s0, s8;
	s6 =	sshrl.u32 s7, $0x3;
	s8 =	sor.u32 $0x200, s7  }
0xc: {  	s11 =	sadd.s32 $0x600, s7;
	s0 =	smax.u32 s0, $0x1;
	s9 =	sadd.s32 s4, s6  }
0xd: {  	s6 =	sadd.s32 $0xF42E00, s1;
	[dreg:$0x5] =	wrdreg s0;
	s1 =	simm.s32 $0x4  }
0xe: {  	s0 =	simm.s32 $0x5;
	[dreg:$0x3] =	wrdreg s9;
	s26 =	sadd.s32 $0x40, s9  }
0xf: {  	s9 =	sadd.s32 $0x400, s7;
	[dreg:$0x4] =	wrdreg s26;
	s26 =	simm.s32 $0x300  }
.LBB2_1:
0x10: {  	s5 =	rddreg [dreg:$0x3]  }
0x11: {  	[tilespmem:s3], [sflag:$0x1] =	stream.linear.gather [hbm4b:s5+s3], $0x200, $0x38;
	[tilespmem:$0x10400] =	vst v63  }
0x12: {  	s7 =	rddreg [dreg:$0x4];
	s12 =	simm.s32 $0x1  }
0x13: {  	[tilespmem:s13], [sflag:$0x2] =	stream.linear.gather [hbm4b:s7+s3], $0x200, $0x38;
	[tilespmem:$0x10400] =	vst v63  }
0x14: {  	_ =	swait.ge [sflag:s12], $0x200  }
0x15: {  	[sflag:s12] =	ssyncset.done $0x0  }
0x16: {  	[sflag:s12] =	ssyncadd.s32 $0xFFFFFE00  }
0x17: {  	[tilespmem:s16], [sflag:$0x3] =	stream.indirect.gather [hbm4b:s6+s15], $0x40, s3, s15, $0xb8;
	[tilespmem:$0x10400] =	vst v63  }
0x18: {  	s14 =	simm.s32 $0x2400  }
0x19: {  	[tilespmem:s14], [sflag:$0x3] =	stream.indirect.gather [hbm4b:s6+s15], $0x40, s15, s15, $0xb8;
	[tilespmem:$0x10400] =	vst v63  }
0x1a: {  	s19 =	simm.s32 $0x100;
	s7 =	simm.s32 $0x4400  }
0x1b: {  	[tilespmem:s7], [sflag:$0x3] =	stream.indirect.gather [hbm4b:s6+s15], $0x40, s19, s15, $0xb8;
	[tilespmem:$0x10400] =	vst v63  }
0x1c: {  	s20 =	simm.s32 $0x180;
	s21 =	simm.s32 $0x6400;
	s19 =	simm.s32 $0x0  }
0x1d: {  	[tilespmem:s21], [sflag:$0x3] =	stream.indirect.gather [hbm4b:s6+s15], $0x40, s20, s15, $0xb8;
	[tilespmem:$0x10400] =	vst v63  }
.LBB2_2:
0x1e: {  	_ =	swait.ge [sflag:s22], $0x200  }
0x1f: {  	p0 =	seq.s32 s19, $0x0;
	[sflag:s22] =	ssyncset.done $0x0  }
0x20: {  	s5 =	simm.s32 @!p0 $0x6;
	[sflag:s22] =	ssyncadd.s32 $0xFFFFFE00  }
0x21: {  	_ =	swait.ge @!p0 [sflag:s5], $0x8000  }
0x22: {  	[sflag:s5] =	ssyncset.done @!p0 $0x0  }
0x23: {  	[sflag:s5] =	ssyncadd.s32 @!p0 $0xFFFF8000  }
0x24: {  	[tilespmem:s23], [sflag:$0x4] =	stream.indirect.gather [hbm4b:s6+s15], $0x40, s13, s15, $0xb8;
	[tilespmem:$0x10400] =	vst v63  }
0x25: {  	_ = 	snop  }
0x26: {  	[tilespmem:s25], [sflag:$0x4] =	stream.indirect.gather [hbm4b:s6+s15], $0x40, s24, s15, $0xb8;
	[tilespmem:$0x10400] =	vst v63  }
0x27: {  	_ = 	snop  }
0x28: {  	[tilespmem:s28], [sflag:$0x4] =	stream.indirect.gather [hbm4b:s6+s15], $0x40, s26, s15, $0xb8;
	[tilespmem:$0x10400] =	vst v63  }
0x29: {  	_ = 	snop  }
0x2a: {  	[tilespmem:s30], [sflag:$0x4] =	stream.indirect.gather [hbm4b:s6+s15], $0x40, s29, s15, $0xb8;
	[tilespmem:$0x10400] =	vst v63  }
0x2b: {  	_ =	swait.ge [sflag:s31], $0x2000  }
0x2c: {  	[sflag:s31] =	ssyncset.done $0x0  }
0x2d: {  	[sflag:s31] =	ssyncadd.s32 $0xFFFFE000  }
0x2e: {  	_ =	swait.ge [sflag:s31], $0x2000  }
0x2f: {  	[sflag:s31] =	ssyncset.done $0x0  }
0x30: {  	[sflag:s31] =	ssyncadd.s32 $0xFFFFE000  }
0x31: {  	_ =	swait.ge [sflag:s31], $0x2000  }
0x32: {  	[sflag:s31] =	ssyncset.done $0x0  }
0x33: {  	s21 =	sshll.u32 s19, $0xA;
	p0 =	seq.s32 s19, $0x18;
	[sflag:s31] =	ssyncadd.s32 $0xFFFFE000  }
0x34: {  	s5 =	sadd.s32 @!p0 s21, s9;
	_ =	swait.ge [sflag:s31], $0x2000  }
0x35: {  	s5 =	sshrl.u32 @!p0 s5, $0x3;
	[sflag:s31] =	ssyncset.done $0x0  }
0x36: {  	s7 =	simm.s32 @!p0 $0x0;
	s5 =	sadd.s32 @!p0 s4, s5;
	[sflag:s31] =	ssyncadd.s32 $0xFFFFE000  }
0x37: {  	[tilespmem:s7], [sflag:$0x1] =	stream.linear.gather @!p0 [hbm4b:s5+s7], $0x200, $0x38;
	[tilespmem:$0x10400] =	vst v63  }
0x38: {  	s7 =	simm.s32 $0x480  }
0x39: {  	v0 =	vld [tilespmem:s7+$0x70]  }
0x3a: {  	v1 =	vld [tilespmem:s7+$0xFFFFFF90]  }
0x3b: {  	v2 =	vld [tilespmem:s7+$0xFFFFFFA0]  }
0x3c: {  	v3 =	vld [tilespmem:s7+$0xFFFFFFB0]  }
0x3d: {  	v4 =	vld [tilespmem:s7+$0xFFFFFFC0]  }
0x3e: {  	v5 =	vld [tilespmem:s7+$0xFFFFFFD0];
	v0 =	vadd.f32 $8.000000000e+00, v0  }
0x3f: {  	v6 =	vld [tilespmem:s7+$0xFFFFFFE0];
	v1 =	vadd.f32 $8.000000000e+00, v1  }
0x40: {  	v7 =	vld [tilespmem:s7+$0xFFFFFFF0];
	v2 =	vadd.f32 $8.000000000e+00, v2;
	[tilespmem:s7+$0x70] =	vst v0  }
0x41: {  	[tilespmem:s7+$0xFFFFFF90] =	vst v1;
	v0 =	vadd.f32 $8.000000000e+00, v3;
	v3 =	vld [tilespmem:s7+$0x0]  }
0x42: {  	[tilespmem:s7+$0xFFFFFFA0] =	vst v2;
	v1 =	vadd.f32 $8.000000000e+00, v4;
	v4 =	vld [tilespmem:s7+$0x10]  }
0x43: {  	v8 =	vld [tilespmem:s7+$0x20];
	v2 =	vadd.f32 $8.000000000e+00, v5;
	[tilespmem:s7+$0xFFFFFFB0] =	vst v0  }
0x44: {  	v5 =	vadd.f32 $8.000000000e+00, v6;
	[tilespmem:s7+$0xFFFFFFC0] =	vst v1;
	v0 =	vld [tilespmem:s7+$0x30]  }
0x45: {  	v6 =	vadd.f32 $8.000000000e+00, v7;
	[tilespmem:s7+$0xFFFFFFD0] =	vst v2;
	v1 =	vld [tilespmem:s7+$0x40]  }
0x46: {  	[tilespmem:s7+$0xFFFFFFE0] =	vst v5;
	v2 =	vld [tilespmem:s7+$0x50];
	v7 =	vadd.f32 $8.000000000e+00, v3  }
0x47: {  	[tilespmem:s7+$0xFFFFFFF0] =	vst v6;
	v3 =	vld [tilespmem:s7+$0x60];
	v5 =	vadd.f32 $8.000000000e+00, v4  }
0x48: {  	s12 =	simm.s32 $0x0;
	s20 =	sadd.s32 s21, s8;
	s5 =	simm.s32 $0x580;
	v6 =	vadd.f32 $8.000000000e+00, v8;
	v4 =	vld [tilespmem:s7+$0xFFFFFF80];
	[tilespmem:s7+$0x0] =	vst v7  }
.LBB2_3:
0x49: {  	v7 =	vld [tilespmem:s5+$0x70];
	s12 =	sadd.s32 $0x4, s12;
	[tilespmem:s7+$0x10] =	vst v5;
	v0 =	vadd.f32 $8.000000000e+00, v0  }
0x4a: {  	v5 =	vld [tilespmem:s5+$0xFFFFFF90];
	p1 =	slt.u32 s12, $0x1FC;
	[tilespmem:s7+$0x20] =	vst v6;
	v1 =	vadd.f32 $8.000000000e+00, v1  }
0x4b: {  	v6 =	vld [tilespmem:s5+$0xFFFFFFA0];
	[tilespmem:s7+$0x30] =	vst v0;
	v0 =	vadd.f32 $8.000000000e+00, v2  }
0x4c: {  	v2 =	vld [tilespmem:s5+$0xFFFFFFB0];
	[tilespmem:s7+$0x40] =	vst v1;
	v1 =	vadd.f32 $8.000000000e+00, v3  }
0x4d: {  	v3 =	vld [tilespmem:s5+$0xFFFFFFC0];
	v4 =	vadd.f32 $8.000000000e+00, v4;
	[tilespmem:s7+$0x50] =	vst v0  }
0x4e: {  	v0 =	vld [tilespmem:s5+$0xFFFFFFD0];
	v7 =	vadd.f32 $8.000000000e+00, v7;
	[tilespmem:s7+$0x60] =	vst v1  }
0x4f: {  	v1 =	vadd.f32 $8.000000000e+00, v5;
	v5 =	vld [tilespmem:s5+$0xFFFFFFE0];
	[tilespmem:s7+$0xFFFFFF80] =	vst v4;
	s7 =	smov.u32 s5  }
0x50: {  	v4 =	vadd.f32 $8.000000000e+00, v6;
	v6 =	vld [tilespmem:s5+$0xFFFFFFF0];
	[tilespmem:s5+$0x70] =	vst v7  }
0x51: {  	[tilespmem:s5+$0xFFFFFF90] =	vst v1;
	v1 =	vadd.f32 $8.000000000e+00, v2;
	v2 =	vld [tilespmem:s5+$0x0]  }
0x52: {  	[tilespmem:s5+$0xFFFFFFA0] =	vst v4;
	v3 =	vadd.f32 $8.000000000e+00, v3;
	v4 =	vld [tilespmem:s5+$0x10]  }
0x53: {  	[tilespmem:s5+$0xFFFFFFB0] =	vst v1;
	v1 =	vadd.f32 $8.000000000e+00, v0;
	v7 =	vld [tilespmem:s5+$0x20]  }
.Ltmp0:
0x54: {  	[tilespmem:s5+$0xFFFFFFC0] =	vst v3;
	v3 =	vadd.f32 $8.000000000e+00, v5;
	v0 =	vld [tilespmem:s5+$0x30];
	(pc) =	sbr.rel @p1 .LBB2_3-.Ltmp0, $4  }
0x55: {  	[tilespmem:s5+$0xFFFFFFD0] =	vst v1;
	v5 =	vadd.f32 $8.000000000e+00, v6;
	v1 =	vld [tilespmem:s5+$0x40]  }
0x56: {  	[tilespmem:s5+$0xFFFFFFE0] =	vst v3;
	v6 =	vadd.f32 $8.000000000e+00, v2;
	v2 =	vld [tilespmem:s5+$0x50]  }
0x57: {  	[tilespmem:s5+$0xFFFFFFF0] =	vst v5;
	v5 =	vadd.f32 $8.000000000e+00, v4;
	v3 =	vld [tilespmem:s5+$0x60]  }
0x58: {  	s5 =	sadd.s32 $0x100, s5;
	v4 =	vld [tilespmem:s7+$0xFFFFFF80];
	[tilespmem:s7+$0x0] =	vst v6;
	v6 =	vadd.f32 $8.000000000e+00, v7  }
0x59: {  	[tilespmem:s7+$0x10] =	vst v5;
	v0 =	vadd.f32 $8.000000000e+00, v0  }
0x5a: {  	[tilespmem:s7+$0x20] =	vst v6;
	v1 =	vadd.f32 $8.000000000e+00, v1  }
0x5b: {  	[tilespmem:s7+$0x30] =	vst v0;
	v0 =	vadd.f32 $8.000000000e+00, v2  }
0x5c: {  	s5 =	sshll.u32 s19, $0x10;
	[tilespmem:s7+$0x40] =	vst v1;
	v1 =	vadd.f32 $8.000000000e+00, v3  }
0x5d: {  	s5 =	sadd.s32 s10, s5;
	v2 =	vadd.f32 $8.000000000e+00, v4;
	[tilespmem:s7+$0x50] =	vst v0  }
0x5e: {  	s5 =	sshrl.u32 s5, $0x3;
	[tilespmem:s7+$0x60] =	vst v1  }
0x5f: {  	s5 =	sadd.s32 s2, s5;
	[tilespmem:s7+$0xFFFFFF80] =	vst v2  }
0x60: {  	[hbm4b:s5+s3] =	stream.linear.scatter [tilespmem:s16], [sflag:$0x5], $0x8000, $0x38;
	[tilespmem:$0x10400] =	vst v63  }
0x61: {  	s5 =	simm.s32 @!p0 $0x1  }
0x62: {  	_ =	swait.ge @!p0 [sflag:s5], $0x200  }
0x63: {  	[sflag:s5] =	ssyncset.done @!p0 $0x0  }
0x64: {  	[sflag:s5] =	ssyncadd.s32 @!p0 $0xFFFFFE00;
	s5 =	simm.s32 @!p0 $0x5  }
0x65: {  	_ =	swait.ge @!p0 [sflag:s5], $0x8000  }
0x66: {  	s12 =	simm.s32 @!p0 $0x400;
	[sflag:s5] =	ssyncset.done @!p0 $0x0  }
0x67: {  	s7 =	simm.s32 @!p0 $0x0;
	[sflag:s5] =	ssyncadd.s32 @!p0 $0xFFFF8000;
	s5 =	simm.s32 @!p0 $0x80  }
0x68: {  	[tilespmem:s12], [sflag:$0x3] =	stream.indirect.gather @!p0 [hbm4b:s6+s5], $0x40, s7, s5, $0xb8;
	[tilespmem:$0x10400] =	vst v63  }
0x69: {  	s12 =	simm.s32 @!p0 $0x2400  }
0x6a: {  	[tilespmem:s12], [sflag:$0x3] =	stream.indirect.gather @!p0 [hbm4b:s6+s5], $0x40, s5, s5, $0xb8;
	[tilespmem:$0x10400] =	vst v63  }
0x6b: {  	s14 =	simm.s32 @!p0 $0x4400;
	s12 =	simm.s32 @!p0 $0x100  }
0x6c: {  	[tilespmem:s14], [sflag:$0x3] =	stream.indirect.gather @!p0 [hbm4b:s6+s5], $0x40, s12, s5, $0xb8;
	[tilespmem:$0x10400] =	vst v63  }
0x6d: {  	s12 =	simm.s32 @!p0 $0x180;
	s14 =	simm.s32 @!p0 $0x6400  }
0x6e: {  	[tilespmem:s14], [sflag:$0x3] =	stream.indirect.gather @!p0 [hbm4b:s6+s5], $0x40, s12, s5, $0xb8;
	[tilespmem:$0x10400] =	vst v63  }
0x6f: {  	_ =	swait.ge [sflag:s1], $0x2000  }
0x70: {  	[sflag:s1] =	ssyncset.done $0x0  }
0x71: {  	[sflag:s1] =	ssyncadd.s32 $0xFFFFE000  }
0x72: {  	_ =	swait.ge [sflag:s1], $0x2000  }
0x73: {  	[sflag:s1] =	ssyncset.done $0x0  }
0x74: {  	[sflag:s1] =	ssyncadd.s32 $0xFFFFE000  }
0x75: {  	_ =	swait.ge [sflag:s1], $0x2000  }
0x76: {  	[sflag:s1] =	ssyncset.done $0x0  }
0x77: {  	[sflag:s1] =	ssyncadd.s32 $0xFFFFE000  }
0x78: {  	s5 =	sadd.s32 @!p0 s21, s11;
	_ =	swait.ge [sflag:s1], $0x2000  }
0x79: {  	s5 =	sshrl.u32 @!p0 s5, $0x3;
	[sflag:s1] =	ssyncset.done $0x0  }
0x7a: {  	s12 =	simm.s32 @!p0 $0x200;
	s5 =	sadd.s32 @!p0 s4, s5;
	[sflag:s1] =	ssyncadd.s32 $0xFFFFE000  }
0x7b: {  	[tilespmem:s12], [sflag:$0x2] =	stream.linear.gather @!p0 [hbm4b:s5+s7], $0x200, $0x38;
	[tilespmem:$0x10400] =	vst v63  }
0x7c: {  	s7 =	simm.s32 $0x8480  }
0x7d: {  	v0 =	vld [tilespmem:s7+$0x70]  }
0x7e: {  	v1 =	vld [tilespmem:s7+$0xFFFFFF90]  }
0x7f: {  	v2 =	vld [tilespmem:s7+$0xFFFFFFA0]  }
0x80: {  	v3 =	vld [tilespmem:s7+$0xFFFFFFB0]  }
0x81: {  	v4 =	vld [tilespmem:s7+$0xFFFFFFC0]  }
0x82: {  	v5 =	vld [tilespmem:s7+$0xFFFFFFD0];
	v0 =	vadd.f32 $8.000000000e+00, v0  }
0x83: {  	v6 =	vld [tilespmem:s7+$0xFFFFFFE0];
	v1 =	vadd.f32 $8.000000000e+00, v1  }
0x84: {  	v7 =	vld [tilespmem:s7+$0xFFFFFFF0];
	v2 =	vadd.f32 $8.000000000e+00, v2;
	[tilespmem:s7+$0x70] =	vst v0  }
0x85: {  	[tilespmem:s7+$0xFFFFFF90] =	vst v1;
	v0 =	vadd.f32 $8.000000000e+00, v3;
	v3 =	vld [tilespmem:s7+$0x0]  }
0x86: {  	[tilespmem:s7+$0xFFFFFFA0] =	vst v2;
	v1 =	vadd.f32 $8.000000000e+00, v4;
	v4 =	vld [tilespmem:s7+$0x10]  }
0x87: {  	v8 =	vld [tilespmem:s7+$0x20];
	v2 =	vadd.f32 $8.000000000e+00, v5;
	[tilespmem:s7+$0xFFFFFFB0] =	vst v0  }
0x88: {  	v5 =	vadd.f32 $8.000000000e+00, v6;
	[tilespmem:s7+$0xFFFFFFC0] =	vst v1;
	v0 =	vld [tilespmem:s7+$0x30]  }
0x89: {  	v6 =	vadd.f32 $8.000000000e+00, v7;
	[tilespmem:s7+$0xFFFFFFD0] =	vst v2;
	v1 =	vld [tilespmem:s7+$0x40]  }
0x8a: {  	[tilespmem:s7+$0xFFFFFFE0] =	vst v5;
	v2 =	vld [tilespmem:s7+$0x50];
	v7 =	vadd.f32 $8.000000000e+00, v3  }
0x8b: {  	[tilespmem:s7+$0xFFFFFFF0] =	vst v6;
	v3 =	vld [tilespmem:s7+$0x60];
	v5 =	vadd.f32 $8.000000000e+00, v4  }
0x8c: {  	s12 =	simm.s32 $0x0;
	s5 =	simm.s32 $0x8580;
	v6 =	vadd.f32 $8.000000000e+00, v8;
	v4 =	vld [tilespmem:s7+$0xFFFFFF80];
	[tilespmem:s7+$0x0] =	vst v7  }
.LBB2_5:
0x8d: {  	v7 =	vld [tilespmem:s5+$0x70];
	s12 =	sadd.s32 $0x4, s12;
	[tilespmem:s7+$0x10] =	vst v5;
	v0 =	vadd.f32 $8.000000000e+00, v0  }
0x8e: {  	v5 =	vld [tilespmem:s5+$0xFFFFFF90];
	p0 =	slt.u32 s12, $0x1FC;
	[tilespmem:s7+$0x20] =	vst v6;
	v1 =	vadd.f32 $8.000000000e+00, v1  }
0x8f: {  	v6 =	vld [tilespmem:s5+$0xFFFFFFA0];
	[tilespmem:s7+$0x30] =	vst v0;
	v0 =	vadd.f32 $8.000000000e+00, v2  }
0x90: {  	v2 =	vld [tilespmem:s5+$0xFFFFFFB0];
	[tilespmem:s7+$0x40] =	vst v1;
	v1 =	vadd.f32 $8.000000000e+00, v3  }
0x91: {  	v3 =	vld [tilespmem:s5+$0xFFFFFFC0];
	v4 =	vadd.f32 $8.000000000e+00, v4;
	[tilespmem:s7+$0x50] =	vst v0  }
0x92: {  	v0 =	vld [tilespmem:s5+$0xFFFFFFD0];
	v7 =	vadd.f32 $8.000000000e+00, v7;
	[tilespmem:s7+$0x60] =	vst v1  }
0x93: {  	v1 =	vadd.f32 $8.000000000e+00, v5;
	v5 =	vld [tilespmem:s5+$0xFFFFFFE0];
	[tilespmem:s7+$0xFFFFFF80] =	vst v4;
	s7 =	smov.u32 s5  }
0x94: {  	v4 =	vadd.f32 $8.000000000e+00, v6;
	v6 =	vld [tilespmem:s5+$0xFFFFFFF0];
	[tilespmem:s5+$0x70] =	vst v7  }
0x95: {  	[tilespmem:s5+$0xFFFFFF90] =	vst v1;
	v1 =	vadd.f32 $8.000000000e+00, v2;
	v2 =	vld [tilespmem:s5+$0x0]  }
0x96: {  	[tilespmem:s5+$0xFFFFFFA0] =	vst v4;
	v3 =	vadd.f32 $8.000000000e+00, v3;
	v4 =	vld [tilespmem:s5+$0x10]  }
0x97: {  	[tilespmem:s5+$0xFFFFFFB0] =	vst v1;
	v1 =	vadd.f32 $8.000000000e+00, v0;
	v7 =	vld [tilespmem:s5+$0x20]  }
.Ltmp1:
0x98: {  	[tilespmem:s5+$0xFFFFFFC0] =	vst v3;
	v3 =	vadd.f32 $8.000000000e+00, v5;
	v0 =	vld [tilespmem:s5+$0x30];
	(pc) =	sbr.rel @p0 .LBB2_5-.Ltmp1, $4  }
0x99: {  	[tilespmem:s5+$0xFFFFFFD0] =	vst v1;
	v5 =	vadd.f32 $8.000000000e+00, v6;
	v1 =	vld [tilespmem:s5+$0x40]  }
0x9a: {  	[tilespmem:s5+$0xFFFFFFE0] =	vst v3;
	v6 =	vadd.f32 $8.000000000e+00, v2;
	v2 =	vld [tilespmem:s5+$0x50]  }
0x9b: {  	[tilespmem:s5+$0xFFFFFFF0] =	vst v5;
	v5 =	vadd.f32 $8.000000000e+00, v4;
	v3 =	vld [tilespmem:s5+$0x60]  }
0x9c: {  	s5 =	sadd.s32 $0x100, s5;
	v4 =	vld [tilespmem:s7+$0xFFFFFF80];
	[tilespmem:s7+$0x0] =	vst v6;
	v6 =	vadd.f32 $8.000000000e+00, v7  }
0x9d: {  	[tilespmem:s7+$0x10] =	vst v5;
	v0 =	vadd.f32 $8.000000000e+00, v0  }
0x9e: {  	s19 =	sadd.s32 $0x1, s19;
	[tilespmem:s7+$0x20] =	vst v6;
	v1 =	vadd.f32 $8.000000000e+00, v1  }
0x9f: {  	p0 =	sne.s32 s19, $0x19;
	[tilespmem:s7+$0x30] =	vst v0;
	v61 =	vadd.f32 $8.000000000e+00, v2  }
.Ltmp2:
0xa0: {  	[tilespmem:s7+$0x40] =	vst v1;
	v62 =	vadd.f32 $8.000000000e+00, v3;
	(pc) =	sbr.rel @p0 .LBB2_2-.Ltmp2, $4  }
0xa1: {  	s5 =	sshll.u32 s20, $0x3;
	v63 =	vadd.f32 $8.000000000e+00, v4;
	[tilespmem:s7+$0x50] =	vst v61  }
0xa2: {  	s5 =	sand.u32 $0x1FFFF000, s5;
	[tilespmem:s7+$0x60] =	vst v62  }
0xa3: {  	s5 =	sadd.s32 s2, s5;
	[tilespmem:s7+$0xFFFFFF80] =	vst v63  }
0xa4: {  	[hbm4b:s5+s3] =	stream.linear.scatter [tilespmem:s23], [sflag:$0x6], $0x8000, $0x38;
	[tilespmem:$0x10400] =	vst v63  }
0xa5: {  	_ =	swait.ge [sflag:s0], $0x8000  }
0xa6: {  	[sflag:s0] =	ssyncset.done $0x0  }
0xa7: {  	[sflag:s0] =	ssyncadd.s32 $0xFFFF8000  }
0xa8: {  	_ =	swait.ge [sflag:s17], $0x8000  }
0xa9: {  	s18 =	sadd.s32 $0x1, s18;
	s5 =	rddreg [dreg:$0x5]  }
0xaa: {  	p0 =	sne.s32 s18, s5  }
.Ltmp3:
0xab: {  	_ = 	snop;
	(pc) =	sbr.rel @p0 .LBB2_1-.Ltmp3, $3  }
0xac: {  	_ =	sdelay $0x1  }
0xad: {  	[sflag:s17] =	ssyncset.done $0x0  }
0xae: {  	[sflag:s17] =	ssyncadd.s32 $0xFFFF8000  }
0xaf: {  	_ =	sfence.sel $0x180000  }
0xb0: {  	[bflag:$0x0] =	sbarrier.arrive $0xFFFF  }
0xb1: {  	_ =	strace $0x90000047  }
0xb2: {  	s0 =	stileid.u32;
	[bflag:$0x2] =	sbarrier.arrive $0xFFFF  }
0xb3: {  	p0 =	sne.s32 s0, $0x0;
	s0 =	rddreg [dreg:$0x2]  }
0xb4: {  	s0 =	sadd.s32 @!p0 $0x100000, s0  }
0xb5: {  	[sflag:s0] =	ssyncadd.tile.s32 @!p0 $0x1;
	_ =	shalt  }
.Lfunc_end2:
_tile_overlayer_lowered:
.L_overlay_start_2:
0xb6: {  	(tag) =	ssettag $0x2  }
0xb7: {  	s0 =	rddreg [dreg:$0x0];
	s2 =	stileid.u32  }
0xb8: {  	s1 =	rddreg [dreg:$0x1];
	p0 =	sne.s32 s2, $0x0  }
0xb9: {  	s3 =	rddreg [dreg:$0x2];
	[bflag:$0x3] =	sbarrier.arrive $0xFFFF;
	s2 =	simm.s32 @!p0 $0x1C07  }
0xba: {  	[timem:s3], [sflag:s2] =	dma.local @!p0 [hbm:s0], s1  }
0xbb: {  	s0 =	simm.s32 @!p0 $0x7  }
0xbc: {  	_ =	swait.ge @!p0 [sflag:s0], s1  }
0xbd: {  	s1 =	ssub.s32 @!p0 $0x0, s1;
	[sflag:s0] =	ssyncset.done @!p0 $0x0  }
0xbe: {  	[sflag:s0] =	ssyncadd.s32 @!p0 s1  }
0xbf: {  	[bflag:$0x3] =	sbarrier.arrive $0xFFFF  }
0xc0: {  	_ =	shalt  }

// kernel: sparse-core-data-format-call.cloned.1.call-start
scs
called_computation_lowered:
.L_overlay_start_0:
0x0: {  	s2 =	sld [smem:$0x3FD9]  }
0x1: {  	s3 =	sld [smem:$0x3FFE];
	_ =	sdelay $0x1  }
0x2: {  	s1 =	srdreg.scid  }
0x3: {  	s0 =	sand.u32 $0x1, s1  }
0x4: {  	s18 =	sshll.u32 s0, $0xA;
	s2 =	sadd.s32 s3, s2  }
0x5: {  	s2 =	sadd.s32 s2, s18  }
0x6: {  	[smem:$0x3FC6] =	sst s2  }
0x7: {  	_ = 	snop  }
0x8: {  	s2 =	sld [smem:$0x3FD0];
	(tm) =	ssettm $0x1  }
0x9: {  	s19 =	sld [smem:$0x3FFB];
	_ =	sdelay $0x3  }
0xa: {  	_ =	strace s19  }
0xb: {  	s3 =	sld [smem:$0x3FFC];
	_ =	sdelay $0x3  }
0xc: {  	_ =	strace s3  }
0xd: {  	s3 =	sld [smem:$0x3FFD];
	_ =	sdelay $0x3  }
0xe: {  	_ =	strace s3  }
0xf: {  	_ =	strace $0x8FFFFFFF  }
0x10: {  	s20 =	sld [smem:$0x3FDB];
	_ =	sdelay $0x1  }
0x11: {  	s4 =	simm.s32 $_scs_section_size  }
0x12: {  	s5 =	simm.s32 $_size__tile_overlayer_lowered;
	s6 =	simm.s32 $_tile_overlayer_lowered  }
0x13: {  	s23 =	simm.s32 $0x1BFF;
	s22 =	sshll.u32 s6, $0x1;
	s3 =	sadd.s32 s4, s20  }
0x14: {  	s7 =	simm.s32 $0x0;
	s21 =	sshll.u32 s5, $0x1;
	s5 =	sadd.s32 s22, s3  }
0x15: {  	[timem:s7], [sflag:s23] =	dma.local [hbm:s5], s21  }
0x16: {  	_ =	swait.ge [sflag:s23], s21  }
0x17: {  	s4 =	ssub.s32 $0x0, s21;
	[sflag:s23] =	ssyncset.done $0x0  }
0x18: {  	[sflag:s23] =	ssyncadd.s32 s4;
	_ =	sdelay $0x1  }
0x19: {  	s24 =	simm.s32 $0x1B8B  }
0x1a: {  	_ =	swait.ge [sflag:s24], $0x1  }
0x1b: {  	[sflag:s24] =	ssyncset.done $0x0  }
0x1c: {  	s26 =	simm.s32 $0x1B8E;
	s25 =	sld [smem:$0x3FFE];
	[sflag:s24] =	ssyncadd.s32 $0xFFFFFFFF  }
0x1d: {  	s27 =	simm.s32 $execute0_lowered;
	[smem:$0x3FD2] =	sst s26  }
0x1e: {  	s5 =	sshll.u32 s27, $0x1;
	_ =	strace $0x80000049;
	[dreg:$0x1] =	wrdreg $0xFFFFFFFF  }
0x1f: {  	s28 =	simm.s32 $_size_execute0_lowered;
	s3 =	sadd.s32 s3, s5;
	[dreg:$0x0] =	wrdreg $0x0  }
0x20: {  	s5 =	sshll.u32 s28, $0x1;
	[dreg:$0x2] =	wrdreg s3  }
0x21: {  	[dreg:$0x3] =	wrdreg s5  }
0x22: {  	[dreg:$0x4] =	wrdreg $0xC0  }
0x23: {  	_ =	task [dreg:s7], $0x5FFFF  }
0x24: {  	[dreg:$0x1] =	wrdreg $0xFFFFFFFF  }
0x25: {  	[dreg:$0x0] =	wrdreg $0x60  }
0x26: {  	[dreg:$0x2] =	wrdreg s25  }
0x27: {  	[dreg:$0x3] =	wrdreg s2  }
0x28: {  	[dreg:$0x4] =	wrdreg $0x9  }
0x29: {  	_ =	task.clear_ibuf [dreg:s7], $0x5FFFF;
	_ =	strace $0x90000049  }
0x2a: {  	s29 =	simm.s32 $0x9;
	_ =	strace $0x8000004B  }
0x2b: {  	_ =	swait.ge [sflag:s29], $0x1  }
0x2c: {  	[sflag:s29] =	ssyncadd.s32 $0xFFFFFFFF  }
0x2d: {  	_ =	strace $0x9000004B  }
0x2e: {  	_ =	sfence  }
0x2f: {  	s30 =	sld [smem:$0x0];
	_ =	sdelay $0x2  }
0x30: {  	s31 =	sshll.u32 s1, $0xD;
	s1 =	sshrl.u32 s1, $0x2  }
0x31: {  	s3 =	sand.u32 $0x4000, s31;
	s1 =	sadd.s32 s1, s30  }
0x32: {  	s0 =	sor.u32 s3, s0;
	s1 =	sshll.u32 s1, $0x11  }
0x33: {  	s0 =	sor.u32 s1, s0  }
0x34: {  	s0 =	sadd.s32 $0x8F2B, s0  }
0x35: {  	[sflag:s0] =	ssyncadd.remote.s32 $0x1  }
0x36: {  	_ =	sfence.sel $0xFFFF  }
0x37: {  	[dreg:$0x0] =	wrdreg $0xFFFFFFFF;
	(pc) =	sbr.abs _section_cstart, $3  }
0x38: {  	[dreg:$0x1] =	wrdreg $0xFFFFFFFF  }
0x39: {  	_ =	task.clear_ibuf [dreg:s7], $0x2FFFF;
	_ =	strace $0x9FFFFFFF  }
0x3a: {  	(tm) =	ssettm $0x7FFFFFFF  }
0x3b: {  	_ =	shalt  }
tec
execute0_lowered:
.L_overlay_start_1:
0x0: {  	(tag) =	ssettag $0x1  }
0x1: {  	s0 =	srdreg.scid  }
0x2: {  	s1 =	sshll.u32 s0, $0x4  }
0x3: {  	s0 =	stileid.u32;
	s1 =	sand.u32 $0x10, s1  }
0x4: {  	s1 =	sor.u32 s0, s1  }
0x5: {  	s6 =	rddreg [dreg:$0x0];
	s4 =	simm.s32 $0x1;
	s2 =	sshll.u32 s1, $0x7  }
0x6: {  	s7 =	simm.s32 $0x2;
	s12 =	simm.s32 $0x0;
	s1 =	ssub.s32 $0x1000, s2  }
0x7: {  	s8 =	simm.s32 $0x8000;
	s13 =	simm.s32 $0x0;
	s3 =	sand.u32 $0xF80, s1  }
0x8: {  	s9 =	simm.s32 $0x0;
	s5 =	sshrl.u32 s1, $0xC;
	p0 =	sne.s32 s3, $0x0  }
.Ltmp0:
0x9: {  	s1 =	rddreg [dreg:$0x2];
	s4 =	simm.s32 @!p0 $0x0;
	(pc) =	sbr.rel .LBB1_1-.Ltmp0, $4  }
0xa: {  	s11 =	simm.s32 $0x0;
	s3 =	rddreg [dreg:$0x1];
	s5 =	sadd.s32 s4, s5  }
0xb: {  	_ =	strace $0x8000004A;
	s4 =	simm.s32 $0x1;
	s5 =	smul.u32 $0xC8, s5  }
0xc: {  	s6 =	sadd.s32 $0xA00, s6;
	s10 =	smov.u32 s2;
	[sflag:s4] =	ssyncpa.u1 $0x0  }
0xd: {  	p0 =	por $0x0, $0x0;
	[sflag:s7] =	ssyncpa.u1 $0x0;
	s7 =	sor.u32 $0x1, s5  }
.LBB1_4:
0xe: {  	s16 =	sshll.u32 s13, $0x3;
	s17 =	sand.u32 $0x78, s13  }
0xf: {  	s30 =	sand.u32 $0x7E00, s13;
	s12 =	sshll.u32 s12, $0xF;
	s16 =	sand.u32 $0xC00, s16  }
0x10: {  	[tilespmem:s15+$0x810 ss:$0x81] =	vst.msk $0xffff, v2;
	s31 =	sand.u32 $0x7, s13;
	s16 =	sor.u32 s17, s16;
	s17 =	sadd.s32 s3, s30  }
0x11: {  	[tilespmem:s15+$0x1020 ss:$0x81] =	vst.msk $0xffff, v0;
	s13 =	sshll.u32 s31, $0x12;
	s12 =	sadd.s32 s12, s17;
	s16 =	sshrl.u32 s16, $0x3  }
0x12: {  	[tilespmem:s15+$0x0 ss:$0x81] =	vst.msk $0xffff, v1;
	s13 =	sor.u32 $0x400, s13;
	s12 =	sadd.s32 s16, s12  }
0x13: {  	[hbm4b:s12+s13] =	stream.strided.scatter [tilespmem:s14], [sflag:$0x2], $0x2000, s8, s13, $0x20;
	[tilespmem:$0x8080] =	vst v63  }
.LBB1_5:
0x14: {  	s14 =	sadd.s32 $0x1, s9  }
0x15: {  	s12 =	sadd.s32 $0x1000, s10;
	s16 =	smov.u32 s10;
	p2 =	sgt.s32 s14, $0xC7  }
0x16: {  	s16 =	smov.u32 @p2 s12  }
0x17: {  	s14 =	simm.s32 @p2 $0x0;
	p2 =	sgt.s32 s16, $0xFFF  }
0x18: {  	s16 =	smov.u32 @p2 s2;
	p2 =	sne.s32 s11, s7  }
.Ltmp1:
0x19: {  	p1 =	slt.u32 s11, $0x2;
	(pc) =	sbr.rel @!p2 .LBB1_6-.Ltmp1, $4  }
0x1a: {  	s15 =	simm.s32 @!p1 $0x2  }
0x1b: {  	s13 =	smov.u32 s10;
	p0 =	por !p0, !p0;
	_ =	swait.ge @!p1 [sflag:s15], $0x2000  }
0x1c: {  	s12 =	smov.u32 s9;
	[sflag:s15] =	ssyncset.done @!p1 $0x0;
	s9 =	smov.u32 s14  }
0x1d: {  	s11 =	sadd.s32 $0x1, s11;
	[sflag:s15] =	ssyncadd.s32 @!p1 $0xFFFFE000;
	s10 =	smov.u32 s16  }
.LBB1_1:
0x1e: {  	p1 =	sge.u32 s11, s5  }
0x1f: {  	s14 =	sand.u32 @!p1 $0x1FFFFFF, s9  }
0x20: {  	s15 =	smulhi.u32 @!p1 $0x147AE15, s14;
	_ =	sdelay $0x1  }
0x21: {  	s15 =	smul.u32 @!p1 $0xC8, s15  }
0x22: {  	s16 =	sxor.u32 @!p1 $0xFFFFFFFF, s11;
	s17 =	smul.u32 @!p1 $0xC80, s10  }
0x23: {  	s31 =	sadd.s32 $0xFFFFFFFF, s11;
	s16 =	sshll.u32 @!p1 s16, $0xD;
	s14 =	ssub.s32 @!p1 s14, s15  }
0x24: {  	s15 =	sand.u32 @!p1 $0x2000, s16;
	s16 =	sadd.s32 @!p1 s6, s17;
	s14 =	sshll.u32 @!p1 s14, $0x4  }
0x25: {  	s17 =	simm.s32 @!p1 $0x6400;
	s14 =	sadd.s32 @!p1 s14, s16;
	s16 =	simm.s32 @!p1 $0x40  }
0x26: {  	[tilespmem:s15], [sflag:$0x1] =	stream.strided.gather @!p1 [hbm4b:s14+s16], $0x2000, s17, s16, $0x38;
	[tilespmem:$0x8080] =	vst v63  }
0x27: {  	p1 =	sge.u32 s31, s5  }
.Ltmp2:
0x28: {  	_ = 	snop;
	(pc) =	sbr.rel @p1 .LBB1_5-.Ltmp2, $1  }
0x29: {  	_ =	sdelay $0x3  }
0x2a: {  	s14 =	simm.s32 $0x1  }
0x2b: {  	_ =	swait.ge [sflag:s4], $0x2000;
	s14 =	simm.s32 @!p0 $0x0  }
0x2c: {  	[sflag:s4] =	ssyncset.done $0x0;
	s15 =	sshll.u32 s14, $0xD  }
0x2d: {  	[sflag:s4] =	ssyncadd.s32 $0xFFFFE000;
	s18 =	sor.u32 $0x20, s15  }
0x2e: {  	s14 =	smul.u32 $0x8100, s14;
	v3 =	vld [tilespmem:s18+$0x10]  }
0x2f: {  	s30 =	sand.u32 $0x1, s11;
	v2 =	vld [tilespmem:s18+$0xFFFFFFF0]  }
0x30: {  	s15 =	smul.u32 $0x8100, s30;
	s14 =	sshrl.u32 s14, $0x2;
	v0 =	vld [tilespmem:s18+$0x0]  }
0x31: {  	v1 =	vld [tilespmem:s18+$0xFFFFFFE0];
	s16 =	sor.u32 $0x4000, s14  }
0x32: {  	s31 =	sshrl.u32 s15, $0x2;
	s15 =	sadd.s32 $0x0, s16  }
0x33: {  	s17 =	simm.s32 $0x4;
	s18 =	sadd.s32 $0x40, s18;
	s14 =	sor.u32 $0x4000, s31;
	[tilespmem:s15+$0x1830 ss:$0x81] =	vst.msk $0xffff, v3  }
.LBB1_3:
0x34: {  	v3 =	vld [tilespmem:s18+$0x10];
	p1 =	sne.s32 s17, $0x1FC;
	[tilespmem:s15+$0x810 ss:$0x81] =	vst.msk $0xffff, v2;
	s19 =	smov.u32 s17;
	s17 =	sadd.s32 $0x4, s17  }
.Ltmp3:
0x35: {  	v2 =	vld [tilespmem:s18+$0xFFFFFFF0];
	[tilespmem:s15+$0x1020 ss:$0x81] =	vst.msk $0xffff, v0;
	(pc) =	sbr.rel @p1 .LBB1_3-.Ltmp3, $4  }
0x36: {  	v0 =	vld [tilespmem:s18+$0x0];
	[tilespmem:s15+$0x0 ss:$0x81] =	vst.msk $0xffff, v1  }
0x37: {  	s15 =	sshra.s32 s19, $0x2;
	v1 =	vld [tilespmem:s18+$0xFFFFFFE0]  }
0x38: {  	s15 =	sadd.s32 s15, s16  }
0x39: {  	s18 =	sadd.s32 $0x40, s18;
	[tilespmem:s15+$0x1830 ss:$0x81] =	vst.msk $0xffff, v3  }
.Ltmp4:
0x3a: {  	_ = 	snop;
	(pc) =	sbr.rel .LBB1_4-.Ltmp4, $1  }
0x3b: {  	_ =	sdelay $0x3  }
.LBB1_6:
0x3c: {  	_ =	sfence.sel $0x180000  }
0x3d: {  	s2 =	simm.s32 $0x1;
	[bflag:$0x0] =	sbarrier.arrive $0xFFFF  }
0x3e: {  	s31 =	simm.s32 $0x2;
	[sflag:s2] =	ssyncpa.u1 $0x1  }
0x3f: {  	[sflag:s31] =	ssyncpa.u1 $0x1  }
0x40: {  	p0 =	sne.s32 s0, $0x0;
	_ =	strace $0x9000004A  }
0x41: {  	s0 =	sadd.s32 @!p0 $0x100000, s1;
	[bflag:$0x2] =	sbarrier.arrive $0xFFFF  }
0x42: {  	[sflag:s0] =	ssyncadd.tile.s32 @!p0 $0x1;
	_ =	shalt  }
.Lfunc_end1:
_tile_overlayer_lowered:
.L_overlay_start_2:
0x43: {  	(tag) =	ssettag $0x2  }
0x44: {  	s0 =	rddreg [dreg:$0x0];
	s2 =	stileid.u32  }
0x45: {  	s1 =	rddreg [dreg:$0x1];
	p0 =	sne.s32 s2, $0x0  }
0x46: {  	s3 =	rddreg [dreg:$0x2];
	[bflag:$0x3] =	sbarrier.arrive $0xFFFF;
	s2 =	simm.s32 @!p0 $0x1C01  }
0x47: {  	[timem:s3], [sflag:s2] =	dma.local @!p0 [hbm:s0], s1  }
0x48: {  	s0 =	simm.s32 @!p0 $0x1  }
0x49: {  	_ =	swait.ge @!p0 [sflag:s0], s1  }
0x4a: {  	s1 =	ssub.s32 @!p0 $0x0, s1;
	[sflag:s0] =	ssyncset.done @!p0 $0x0  }
0x4b: {  	[sflag:s0] =	ssyncadd.s32 @!p0 s1  }
0x4c: {  	[bflag:$0x3] =	sbarrier.arrive $0xFFFF  }
0x4d: {  	_ =	shalt  }

</sc_bundles>
